<compile_context>
chip_gen: v7x
topology: tpu7x:2x2x1
jax: 0.10.2.dev20260603
libtpu: 0.0.44.dev20260713+nightly
codegen_flags: <defaults>
</compile_context>

<pallas_src>
import functools

import jax
import jax.numpy as jnp
from jax import lax
from jax.experimental import pallas as pl
from jax.experimental.pallas import tpu as pltpu
from jax.experimental.pallas import tpu_sc as plsc

_THRESHOLD = 0.0001
_LN2 = 0.6931471805599453
_LOG2C = (1.442687955e+00, -7.211279519e-01, 4.784177388e-01,
          -3.463918385e-01, 2.401828293e-01, -1.358065232e-01,
          5.115626768e-02, -9.118586525e-03)
_MIN_NORMAL = 1.1754943508222875e-38
_CH = 3
_NBUF = 4
_KB = 10


def _ln(x):
    xi = lax.bitcast_convert_type(x, jnp.int32)
    e = ((xi >> 23) & 0xFF) - 127
    m = lax.bitcast_convert_type((xi & 0x007FFFFF) | 0x3F800000, jnp.float32)
    t = m - 1.0
    acc = jnp.full_like(x, _LOG2C[-1])
    for c in _LOG2C[-2::-1]:
        acc = acc * t + c
    return (e.astype(jnp.float32) + acc * t) * _LN2


def _sc_body(out3, anc, tgt, part, buf, gt_v, tgt_v, anc_v, vals_v,
             gt_shared, sem, *, A, H, W, T, RPT, SB):
    c = lax.axis_index("c")
    s = lax.axis_index("s")
    w = c * 16 + s
    row0 = w * RPT
    npt = RPT * W
    nch = RPT // _CH
    zeros16f = jnp.zeros((16,), jnp.float32)
    lanes = lax.iota(jnp.int32, 16)
    zero16 = jnp.zeros((16,), jnp.int32)

    def _chunk_copy(k):
        return pltpu.make_async_copy(
            out3.at[pl.ds(row0 + k * _CH, _CH)],
            buf.at[k % _NBUF], sem.at[k % _NBUF])

    for kk in range(_NBUF - 1):
        _chunk_copy(kk).start()

    def _zero(i, _):
        gt_v[pl.ds(i * 16, 16)] = zeros16f
        return 0

    lax.fori_loop(0, npt // 16, _zero, 0)
    pltpu.sync_copy(gt_v, gt_shared.at[pl.ds(s * npt, npt)])
    plsc.subcore_barrier()

    @pl.when(s < SB)
    def _sparse():
        b = c * SB + s
        pltpu.sync_copy(tgt.at[b], tgt_v)
        pltpu.sync_copy(anc, anc_v)
        awh = []
        for k in range(A):
            aw = plsc.load_gather(anc_v, [zero16 + k, zero16])
            ah = plsc.load_gather(anc_v, [zero16 + k, zero16 + 1])
            awh.append((aw, ah))
        for k in range((T + 15) // 16):
            t_id = lanes + k * 16
            valid = t_id < T
            t_cl = jnp.minimum(t_id, T - 1)
            x = plsc.load_gather(tgt_v, [t_cl, zero16 + 1])
            y = plsc.load_gather(tgt_v, [t_cl, zero16 + 2])
            tw = plsc.load_gather(tgt_v, [t_cl, zero16 + 3]) * W
            th = plsc.load_gather(tgt_v, [t_cl, zero16 + 4]) * H
            t_i = jnp.clip((x * W).astype(jnp.int32), 0, W - 1)
            t_j = jnp.clip((y * H).astype(jnp.int32), 0, H - 1)
            t_area = tw * th
            ious = []
            for aw, ah in awh:
                inter = jnp.minimum(aw, tw) * jnp.minimum(ah, th)
                ious.append(inter / (aw * ah + t_area - inter))
            sel1 = (ious[1] > ious[0]) & (ious[1] >= ious[2])
            sel2 = (ious[2] > ious[0]) & (ious[2] > ious[1])
            iou_max = jnp.maximum(jnp.maximum(ious[0], ious[1]), ious[2])
            match = iou_max > _THRESHOLD
            a_vec = sel1.astype(jnp.int32) + 2 * sel2.astype(jnp.int32)
            flat = ((s * A + a_vec) * H + t_j) * W + t_i
            flat = jnp.where(valid, flat, 0)
            val = jnp.where(valid & match, 1.0, 0.0).astype(jnp.float32)
            vals_v[0, :] = val
            pltpu.sync_copy(vals_v.at[0], gt_shared.at[flat], add=True)

    plsc.subcore_barrier()

    pltpu.sync_copy(gt_shared.at[pl.ds(s * npt, npt)], gt_v)

    def _chunk(k, acc):
        @pl.when(k + _NBUF - 1 < nch)
        def _next():
            _chunk_copy(k + _NBUF - 1).start()

        _chunk_copy(k).wait()
        slot = k % _NBUF

        def _inner(i, acc):
            r = i >> 2
            cc = i & 3
            p = plsc.load_gather(
                buf, [zero16 + slot, zero16 + r, lanes + cc * 16, zero16 + 4])
            cnt = gt_v[pl.ds(k * (_CH * W) + i * 16, 16)]
            lp = jnp.maximum(_ln(jnp.maximum(p, _MIN_NORMAL)), -100.0)
            l1p = jnp.maximum(_ln(jnp.maximum(1.0 - p, _MIN_NORMAL)), -100.0)
            return acc + l1p + jnp.where(cnt > 0.5, lp - l1p, 0.0)

        return lax.fori_loop(0, (_CH * W) // 16, _inner, acc)

    acc = lax.fori_loop(0, nch, _chunk, zeros16f)
    vals_v[0, :] = acc
    pltpu.sync_copy(vals_v, part.at[w])


def _tc_body(out_ref, anc_ref, tgt_ref, sum_ref, acc_ref, *, A, H, W, KB):
    b = pl.program_id(0)

    @pl.when(b == 0)
    def _init():
        acc_ref[...] = jnp.zeros_like(acc_ref)

    _tc_batch(out_ref, anc_ref, tgt_ref, acc_ref, 0, A=A, H=H, W=W)

    @pl.when(b == pl.num_programs(0) - 1)
    def _fin():
        sum_ref[0, 0] = jnp.sum(acc_ref[...])


def _tc_batch(out_ref, anc_ref, tgt_ref, acc_ref, sb, *, A, H, W):
    tgt = tgt_ref[sb]
    x = tgt[:, 1:2]
    y = tgt[:, 2:3]
    tw = tgt[:, 3:4] * W
    th = tgt[:, 4:5] * H
    t_i = jnp.clip((x * W).astype(jnp.int32), 0, W - 1)
    t_j = jnp.clip((y * H).astype(jnp.int32), 0, H - 1)

    t_area = tw * th
    ious = []
    for k in range(A):
        aw = anc_ref[k, 0]
        ah = anc_ref[k, 1]
        inter = jnp.minimum(aw, tw) * jnp.minimum(ah, th)
        ious.append(inter / (aw * ah + t_area - inter))
    sel = [
        (ious[0] >= ious[1]) & (ious[0] >= ious[2]),
        (ious[1] > ious[0]) & (ious[1] >= ious[2]),
        (ious[2] > ious[0]) & (ious[2] > ious[1]),
    ]
    iou_max = jnp.maximum(jnp.maximum(ious[0], ious[1]), ious[2])
    match = iou_max > _THRESHOLD
    flags = [(match & s).astype(jnp.float32) for s in sel]

    T = tgt.shape[0]
    row_iota = lax.broadcasted_iota(jnp.int32, (T, H), 1)
    col_iota = lax.broadcasted_iota(jnp.int32, (T, W), 1)
    onehot_i = jnp.where(col_iota == t_i, 1.0, 0.0)
    contrib = acc_ref[...]
    for a in range(A):
        onehot_j = jnp.where(row_iota == t_j, flags[a], 0.0)
        counts = lax.dot_general(
            onehot_j, onehot_i,
            dimension_numbers=(((0,), (0,)), ((), ())),
            preferred_element_type=jnp.float32,
            precision=lax.Precision.HIGHEST,
        )
        gt = (counts > 0.5).astype(jnp.float32)
        pred = out_ref[sb, a, :, :, 4]
        lp = jnp.maximum(jnp.log(pred), -100.0)
        l1p = jnp.maximum(jnp.log(1.0 - pred), -100.0)
        contrib = contrib + (l1p + gt * (lp - l1p))
    acc_ref[...] = contrib


def _finish_body(part_ref, tcsum_ref, loss_ref, *, N):
    loss_ref[0, 0] = -(jnp.sum(part_ref[...]) + tcsum_ref[0, 0]) / N


def kernel(output, anchors, targets):
    B, A, H, W, C = output.shape
    T = targets.shape[1]
    N = B * A * H * W
    SC_ROWS = _KB * A * H
    RPT = SC_ROWS // 32
    SB = _KB // 2
    out3 = output.reshape(B * A * H, W, C)

    mesh = plsc.VectorSubcoreMesh(core_axis_name="c", subcore_axis_name="s")
    body = functools.partial(_sc_body, A=A, H=H, W=W, T=T, RPT=RPT, SB=SB)
    npt = RPT * W
    part = pl.kernel(
        body,
        out_type=jax.ShapeDtypeStruct((32, 1, 16), jnp.float32),
        mesh=mesh,
        scratch_types=[
            pltpu.VMEM((_NBUF, _CH, W, C), jnp.float32),
            pltpu.VMEM((npt,), jnp.float32),
            pltpu.VMEM((T, 5), jnp.float32),
            pltpu.VMEM((A, 2), jnp.float32),
            pltpu.VMEM((1, 16), jnp.float32),
            pltpu.VMEM_SHARED((16 * npt,), jnp.float32),
            pltpu.SemaphoreType.DMA((_NBUF,)),
        ],
        compiler_params=pltpu.CompilerParams(use_tc_tiling_on_sc=True,
                                             needs_layout_passes=False),
    )(out3, anchors, targets)

    if B > _KB:
        tc_sum = pl.pallas_call(
            functools.partial(_tc_body, A=A, H=H, W=W, KB=_KB),
            grid=(B - _KB,),
            in_specs=[
                pl.BlockSpec((1, A, H, W, C), lambda b: (b + _KB, 0, 0, 0, 0)),
                pl.BlockSpec(memory_space=pltpu.SMEM),
                pl.BlockSpec((1, T, 5), lambda b: (b + _KB, 0, 0)),
            ],
            out_specs=pl.BlockSpec(memory_space=pltpu.SMEM),
            out_shape=jax.ShapeDtypeStruct((1, 1), jnp.float32),
            scratch_shapes=[pltpu.VMEM((H, W), jnp.float32)],
        )(output, anchors, targets)
    else:
        tc_sum = jnp.zeros((1, 1), jnp.float32)

    loss2d = pl.pallas_call(
        functools.partial(_finish_body, N=float(N)),
        in_specs=[pl.BlockSpec((32, 1, 16), lambda: (0, 0, 0)),
                  pl.BlockSpec(memory_space=pltpu.SMEM)],
        out_specs=pl.BlockSpec(memory_space=pltpu.SMEM),
        out_shape=jax.ShapeDtypeStruct((1, 1), jnp.float32),
    )(part, tc_sum)
    return loss2d.reshape(())

# --- scband reference (transcript-rebuilt; emitter-appended) ---
"""Pipeline reference for scband-object-loss-72421738545221 (READ-ONLY COPY).

The authoritative reference and input builder live on the scoring server;
editing this copy changes nothing except your own understanding.
"""

import jax, jax.numpy as jnp
import numpy as np

THRESHOLD = 0.0001


def setup_inputs(seed: int = 0) -> dict:
    key = jax.random.key(seed)
    k1, k2, k3 = jax.random.split(key, 3)
    output = jax.random.uniform(k1, (16, 3, 64, 64, 85), dtype=jnp.float32)
    anchors = jax.random.uniform(k2, (3, 2), dtype=jnp.float32)
    targets = jax.random.uniform(k3, (16, 50, 5), dtype=jnp.float32)
    return {"output": output, "anchors": anchors, "targets": targets}


def _bce_mean(p, y):
    # torch.nn.BCELoss clamps log terms at -100
    lp = jnp.clip(jnp.log(p), -100.0, None)
    l1p = jnp.clip(jnp.log(1.0 - p), -100.0, None)
    return -jnp.mean(y * lp + (1.0 - y) * l1p)


def reference(output, anchors, targets):
    threshold = THRESHOLD
    # prediction = output[..., 4] with shape [B, A, H, W]
    pred = output[..., 4]
    B, A, H, W = pred.shape
    # targets[b, :, 1:] = (x, y, w, h) normalized
    boxes = targets[:, :, 1:]
    # find_cell: int() truncation; x,y in [0,1) so floor via int cast
    t_i = jnp.clip((boxes[..., 0] * W).astype(jnp.int32), 0, W - 1)  # [B, T]
    t_j = jnp.clip((boxes[..., 1] * H).astype(jnp.int32), 0, H - 1)  # [B, T]
    t_w = boxes[..., 2] * W  # [B, T]
    t_h = boxes[..., 3] * H  # [B, T]
    # match_anchors: IoU of (t_w, t_h) vs each anchor (width/height only)
    inter = jnp.minimum(anchors[:, 0][None, None, :], t_w[..., None]) * \
            jnp.minimum(anchors[:, 1][None, None, :], t_h[..., None])  # [B, T, A]
    combined = (anchors[:, 0] * anchors[:, 1])[None, None, :] + (t_w * t_h)[..., None]
    ious = inter / (combined - inter)
    t_a = jnp.argmax(ious, axis=-1)          # [B, T]
    iou_max = jnp.max(ious, axis=-1)         # [B, T]
    match = (iou_max > threshold).astype(pred.dtype)
    b_idx = jnp.broadcast_to(jnp.arange(B)[:, None], t_a.shape)
    # scatter 1s into ground truth (duplicates write same value -> max is exact)
    gt = jnp.zeros_like(pred).at[b_idx, t_a, t_j, t_i].max(match)
    gt = jax.lax.stop_gradient(gt)
    loss = jnp.asarray(0.0, dtype=pred.dtype) + _bce_mean(pred.reshape(-1), gt.reshape(-1))
    return loss

if __name__ == "__main__":
    import jax
    _d = setup_inputs()
    print(jax.jit(kernel)(*tuple(_d.values())))

</pallas_src>

<mosaic_0001>
#map = affine_map<(d0, d1) -> (0, 0, 0)>
#map1 = affine_map<(d0, d1) -> (0, 0)>
module attributes {stable_mosaic.version = 14 : i64} {
  func.func @_sc_body(%arg0: i32, %arg1: i32, %arg2: memref<3072x64x85xf32, #tpu.memory_space<hbm>>, %arg3: memref<3x2xf32, #tpu.memory_space<hbm>>, %arg4: memref<16x50x5xf32, #tpu.memory_space<hbm>>, %arg5: memref<32x1x16xf32, #tpu.memory_space<hbm>>, %arg6: memref<4x3x64x85xf32, #tpu.memory_space<vmem>>, %arg7: memref<3840xf32, #tpu.memory_space<vmem>>, %arg8: memref<50x5xf32, #tpu.memory_space<vmem>>, %arg9: memref<3x2xf32, #tpu.memory_space<vmem>>, %arg10: memref<1x16xf32, #tpu.memory_space<vmem>>, %arg11: memref<61440xf32, #tpu.memory_space<vmem_shared>>, %arg12: memref<4x!tpu.dma_semaphore, #tpu.memory_space<semaphore_mem>>) attributes {dimension_semantics = [#tpu.dimension_semantics<core_parallel>, #tpu.dimension_semantics<subcore_parallel>], iteration_bounds = array<i64: 2, 16>, scalar_prefetch = 0 : i64, scratch_operands = 7 : i64, tpu.core_type = #tpu.core_type<sc_vector_subcore>, window_params = [{transform_indices = #map}, {transform_indices = #map1}, {transform_indices = #map}, {transform_indices = #map}]} {
    %mul3A = arith.constant 16 : i32
    %mul3A_0 = arith.muli %arg0, %mul3A : i32
    %add3A = arith.addi %mul3A_0, %arg1 : i32
    %mul3A_1 = arith.constant 60 : i32
    %mul3A_2 = arith.muli %add3A, %mul3A_1 : i32
    %broadcast_in_dim3A = arith.constant 0.000000e+00 : f32
    %broadcast_in_dim3A_3 = vector.broadcast %broadcast_in_dim3A : f32 to vector<16xf32>
    %iota3A = tpu.iota {dimensions = array<i32: 0>} : vector<16xi32>
    %broadcast_in_dim3A_4 = arith.constant 0 : i32
    %broadcast_in_dim3A_5 = vector.broadcast %broadcast_in_dim3A_4 : i32 to vector<16xi32>
    %add3A_6 = arith.constant 0 : i32
    %add3A_7 = arith.addi %mul3A_2, %add3A_6 : i32
    %dma_start3A = arith.constant 0 : i32
    %dma_start3A_8 = arith.constant 0 : i32
    %dma_start3A_9 = arith.constant 0 : i32
    %dma_start3A_10 = arith.constant 0 : i32
    %dma_start3A_11 = arith.constant 0 : i32
    %dma_start3A_12 = tpu.memref_slice %arg6[%dma_start3A, %dma_start3A_9, %dma_start3A_10, %dma_start3A_11] : memref<4x3x64x85xf32, #tpu.memory_space<vmem>> -> memref<1x3x64x85xf32, #tpu.memory_space<vmem>>
    %dma_start3A_13 = tpu.memref_squeeze %dma_start3A_12 : memref<1x3x64x85xf32, #tpu.memory_space<vmem>> -> memref<3x64x85xf32, #tpu.memory_space<vmem>>
    %dma_start3A_14 = arith.constant 0 : i32
    %dma_start3A_15 = arith.constant 0 : i32
    %dma_start3A_16 = tpu.memref_slice %arg2[%add3A_7, %dma_start3A_14, %dma_start3A_15] : memref<3072x64x85xf32, #tpu.memory_space<hbm>> -> memref<3x64x85xf32, #tpu.memory_space<hbm>>
    %dma_start3A_17 = tpu.memref_slice %arg12[%dma_start3A_8] : memref<4x!tpu.dma_semaphore, #tpu.memory_space<semaphore_mem>> -> memref<1x!tpu.dma_semaphore, #tpu.memory_space<semaphore_mem>>
    %dma_start3A_18 = tpu.memref_squeeze %dma_start3A_17 : memref<1x!tpu.dma_semaphore, #tpu.memory_space<semaphore_mem>> -> memref<!tpu.dma_semaphore, #tpu.memory_space<semaphore_mem>>
    %dma_start3A_19 = arith.constant 0 : i32
    %dma_start3A_20 = arith.constant 0 : i32
    %dma_start3A_21 = arith.constant 0 : i32
    %dma_start3A_22 = tpu.memref_slice %arg6[%dma_start3A, %dma_start3A_19, %dma_start3A_20, %dma_start3A_21] : memref<4x3x64x85xf32, #tpu.memory_space<vmem>> -> memref<1x3x64x85xf32, #tpu.memory_space<vmem>>
    %dma_start3A_23 = tpu.memref_squeeze %dma_start3A_22 : memref<1x3x64x85xf32, #tpu.memory_space<vmem>> -> memref<3x64x85xf32, #tpu.memory_space<vmem>>
    %dma_start3A_24 = arith.constant 0 : i32
    %dma_start3A_25 = arith.constant 0 : i32
    %dma_start3A_26 = tpu.memref_slice %arg2[%add3A_7, %dma_start3A_24, %dma_start3A_25] : memref<3072x64x85xf32, #tpu.memory_space<hbm>> -> memref<3x64x85xf32, #tpu.memory_space<hbm>>
    tpu.enqueue_dma source(%dma_start3A_26 : memref<3x64x85xf32, #tpu.memory_space<hbm>>) target(%dma_start3A_23 : memref<3x64x85xf32, #tpu.memory_space<vmem>>) target_semaphore(%dma_start3A_18 : memref<!tpu.dma_semaphore, #tpu.memory_space<semaphore_mem>>)
    %add3A_27 = arith.constant 3 : i32
    %add3A_28 = arith.addi %mul3A_2, %add3A_27 : i32
    %dma_start3A_29 = arith.constant 1 : i32
    %dma_start3A_30 = arith.constant 1 : i32
    %dma_start3A_31 = arith.constant 0 : i32
    %dma_start3A_32 = arith.constant 0 : i32
    %dma_start3A_33 = arith.constant 0 : i32
    %dma_start3A_34 = tpu.memref_slice %arg6[%dma_start3A_29, %dma_start3A_31, %dma_start3A_32, %dma_start3A_33] : memref<4x3x64x85xf32, #tpu.memory_space<vmem>> -> memref<1x3x64x85xf32, #tpu.memory_space<vmem>>
    %dma_start3A_35 = tpu.memref_squeeze %dma_start3A_34 : memref<1x3x64x85xf32, #tpu.memory_space<vmem>> -> memref<3x64x85xf32, #tpu.memory_space<vmem>>
    %dma_start3A_36 = arith.constant 0 : i32
    %dma_start3A_37 = arith.constant 0 : i32
    %dma_start3A_38 = tpu.memref_slice %arg2[%add3A_28, %dma_start3A_36, %dma_start3A_37] : memref<3072x64x85xf32, #tpu.memory_space<hbm>> -> memref<3x64x85xf32, #tpu.memory_space<hbm>>
    %dma_start3A_39 = tpu.memref_slice %arg12[%dma_start3A_30] : memref<4x!tpu.dma_semaphore, #tpu.memory_space<semaphore_mem>> -> memref<1x!tpu.dma_semaphore, #tpu.memory_space<semaphore_mem>>
    %dma_start3A_40 = tpu.memref_squeeze %dma_start3A_39 : memref<1x!tpu.dma_semaphore, #tpu.memory_space<semaphore_mem>> -> memref<!tpu.dma_semaphore, #tpu.memory_space<semaphore_mem>>
    %dma_start3A_41 = arith.constant 0 : i32
    %dma_start3A_42 = arith.constant 0 : i32
    %dma_start3A_43 = arith.constant 0 : i32
    %dma_start3A_44 = tpu.memref_slice %arg6[%dma_start3A_29, %dma_start3A_41, %dma_start3A_42, %dma_start3A_43] : memref<4x3x64x85xf32, #tpu.memory_space<vmem>> -> memref<1x3x64x85xf32, #tpu.memory_space<vmem>>
    %dma_start3A_45 = tpu.memref_squeeze %dma_start3A_44 : memref<1x3x64x85xf32, #tpu.memory_space<vmem>> -> memref<3x64x85xf32, #tpu.memory_space<vmem>>
    %dma_start3A_46 = arith.constant 0 : i32
    %dma_start3A_47 = arith.constant 0 : i32
    %dma_start3A_48 = tpu.memref_slice %arg2[%add3A_28, %dma_start3A_46, %dma_start3A_47] : memref<3072x64x85xf32, #tpu.memory_space<hbm>> -> memref<3x64x85xf32, #tpu.memory_space<hbm>>
    tpu.enqueue_dma source(%dma_start3A_48 : memref<3x64x85xf32, #tpu.memory_space<hbm>>) target(%dma_start3A_45 : memref<3x64x85xf32, #tpu.memory_space<vmem>>) target_semaphore(%dma_start3A_40 : memref<!tpu.dma_semaphore, #tpu.memory_space<semaphore_mem>>)
    %add3A_49 = arith.constant 6 : i32
    %add3A_50 = arith.addi %mul3A_2, %add3A_49 : i32
    %dma_start3A_51 = arith.constant 2 : i32
    %dma_start3A_52 = arith.constant 2 : i32
    %dma_start3A_53 = arith.constant 0 : i32
    %dma_start3A_54 = arith.constant 0 : i32
    %dma_start3A_55 = arith.constant 0 : i32
    %dma_start3A_56 = tpu.memref_slice %arg6[%dma_start3A_51, %dma_start3A_53, %dma_start3A_54, %dma_start3A_55] : memref<4x3x64x85xf32, #tpu.memory_space<vmem>> -> memref<1x3x64x85xf32, #tpu.memory_space<vmem>>
    %dma_start3A_57 = tpu.memref_squeeze %dma_start3A_56 : memref<1x3x64x85xf32, #tpu.memory_space<vmem>> -> memref<3x64x85xf32, #tpu.memory_space<vmem>>
    %dma_start3A_58 = arith.constant 0 : i32
    %dma_start3A_59 = arith.constant 0 : i32
    %dma_start3A_60 = tpu.memref_slice %arg2[%add3A_50, %dma_start3A_58, %dma_start3A_59] : memref<3072x64x85xf32, #tpu.memory_space<hbm>> -> memref<3x64x85xf32, #tpu.memory_space<hbm>>
    %dma_start3A_61 = tpu.memref_slice %arg12[%dma_start3A_52] : memref<4x!tpu.dma_semaphore, #tpu.memory_space<semaphore_mem>> -> memref<1x!tpu.dma_semaphore, #tpu.memory_space<semaphore_mem>>
    %dma_start3A_62 = tpu.memref_squeeze %dma_start3A_61 : memref<1x!tpu.dma_semaphore, #tpu.memory_space<semaphore_mem>> -> memref<!tpu.dma_semaphore, #tpu.memory_space<semaphore_mem>>
    %dma_start3A_63 = arith.constant 0 : i32
    %dma_start3A_64 = arith.constant 0 : i32
    %dma_start3A_65 = arith.constant 0 : i32
    %dma_start3A_66 = tpu.memref_slice %arg6[%dma_start3A_51, %dma_start3A_63, %dma_start3A_64, %dma_start3A_65] : memref<4x3x64x85xf32, #tpu.memory_space<vmem>> -> memref<1x3x64x85xf32, #tpu.memory_space<vmem>>
    %dma_start3A_67 = tpu.memref_squeeze %dma_start3A_66 : memref<1x3x64x85xf32, #tpu.memory_space<vmem>> -> memref<3x64x85xf32, #tpu.memory_space<vmem>>
    %dma_start3A_68 = arith.constant 0 : i32
    %dma_start3A_69 = arith.constant 0 : i32
    %dma_start3A_70 = tpu.memref_slice %arg2[%add3A_50, %dma_start3A_68, %dma_start3A_69] : memref<3072x64x85xf32, #tpu.memory_space<hbm>> -> memref<3x64x85xf32, #tpu.memory_space<hbm>>
    tpu.enqueue_dma source(%dma_start3A_70 : memref<3x64x85xf32, #tpu.memory_space<hbm>>) target(%dma_start3A_67 : memref<3x64x85xf32, #tpu.memory_space<vmem>>) target_semaphore(%dma_start3A_62 : memref<!tpu.dma_semaphore, #tpu.memory_space<semaphore_mem>>)
    %scan3A = arith.constant 0 : i32
    %scan3A_71 = arith.constant 0 : i32
    %scan3A_72 = arith.constant 240 : i32
    %scan3A_73 = arith.addi %scan3A_71, %scan3A_72 : i32
    %scan3A_74 = arith.constant 1 : i32
    %scan3A_75 = scf.for %scan3A_93 = %scan3A_71 to %scan3A_73 step %scan3A_74 iter_args(%scan3A_94 = %scan3A) -> (i32)  : i32 {
      %mul3A_95 = arith.constant 16 : i32
      %mul3A_96 = arith.muli %scan3A_93, %mul3A_95 : i32
      %swap3A_97 = arith.index_cast %mul3A_96 : i32 to index
      %swap3A_98 = tpu.vector_load %arg7[%swap3A_97] {strides = array<i32>} : memref<3840xf32, #tpu.memory_space<vmem>>, vector<16xf32>,
      tpu.vector_store %arg7[%swap3A_97], %broadcast_in_dim3A_3 {strides = array<i32>} : memref<3840xf32, #tpu.memory_space<vmem>>, vector<16xf32>,
      %scan3A_99 = arith.constant 0 : i32
      scf.yield %scan3A_99 : i32
    }
    %scan3A_76 = arith.constant 240 : i32
    %mul3A_77 = arith.constant 3840 : i32
    %mul3A_78 = arith.muli %arg1, %mul3A_77 : i32
    "tpu.region"() ({
      %run_scoped3A = tpu.sem_alloc : memref<!tpu.dma_semaphore, #tpu.memory_space<semaphore_mem>>
      %dma_start3A_93 = tpu.memref_slice %arg11[%mul3A_78] : memref<61440xf32, #tpu.memory_space<vmem_shared>> -> memref<3840xf32, #tpu.memory_space<vmem_shared>>
      %dma_start3A_94 = tpu.memref_slice %arg11[%mul3A_78] : memref<61440xf32, #tpu.memory_space<vmem_shared>> -> memref<3840xf32, #tpu.memory_space<vmem_shared>>
      tpu.enqueue_dma source(%arg7 : memref<3840xf32, #tpu.memory_space<vmem>>) target(%dma_start3A_94 : memref<3840xf32, #tpu.memory_space<vmem_shared>>) target_semaphore(%run_scoped3A : memref<!tpu.dma_semaphore, #tpu.memory_space<semaphore_mem>>)
      %dma_wait3A = tpu.memref_slice %arg11[%mul3A_78] : memref<61440xf32, #tpu.memory_space<vmem_shared>> -> memref<3840xf32, #tpu.memory_space<vmem_shared>>
      %dma_wait3A_95 = tpu.memref_slice %arg11[%mul3A_78] : memref<61440xf32, #tpu.memory_space<vmem_shared>> -> memref<3840xf32, #tpu.memory_space<vmem_shared>>
      tpu.wait_dma2 semaphore(%run_scoped3A : memref<!tpu.dma_semaphore, #tpu.memory_space<semaphore_mem>>) src(%arg7 : memref<3840xf32, #tpu.memory_space<vmem>>) dst(%dma_wait3A_95 : memref<3840xf32, #tpu.memory_space<vmem_shared>>)
      tpu.yield
    }) : () -> ()
    %barrier3A = arith.constant 0 : index
    tpu.barrier barrier_id(%barrier3A)
    %lt3A = arith.constant 5 : i32
    %lt3A_79 = arith.cmpi slt, %arg1, %lt3A : i32
    %convert_element_type3A = arith.extui %lt3A_79 : i1 to i32
    %cond3A = arith.constant 0 : i32
    %cond3A_80 = arith.cmpi ne, %convert_element_type3A, %cond3A : i32
    scf.if %cond3A_80 {
      %mul3A_93 = arith.constant 5 : i32
      %mul3A_94 = arith.muli %arg0, %mul3A_93 : i32
      %add3A_95 = arith.addi %mul3A_94, %arg1 : i32
      "tpu.region"() ({
        %run_scoped3A_582 = tpu.sem_alloc : memref<!tpu.dma_semaphore, #tpu.memory_space<semaphore_mem>>
        %dma_start3A_583 = arith.constant 0 : i32
        %dma_start3A_584 = arith.constant 0 : i32
        %dma_start3A_585 = tpu.memref_slice %arg4[%add3A_95, %dma_start3A_583, %dma_start3A_584] : memref<16x50x5xf32, #tpu.memory_space<hbm>> -> memref<1x50x5xf32, #tpu.memory_space<hbm>>
        %dma_start3A_586 = tpu.memref_squeeze %dma_start3A_585 : memref<1x50x5xf32, #tpu.memory_space<hbm>> -> memref<50x5xf32, #tpu.memory_space<hbm>>
        %dma_start3A_587 = arith.constant 0 : i32
        %dma_start3A_588 = arith.constant 0 : i32
        %dma_start3A_589 = tpu.memref_slice %arg4[%add3A_95, %dma_start3A_587, %dma_start3A_588] : memref<16x50x5xf32, #tpu.memory_space<hbm>> -> memref<1x50x5xf32, #tpu.memory_space<hbm>>
        %dma_start3A_590 = tpu.memref_squeeze %dma_start3A_589 : memref<1x50x5xf32, #tpu.memory_space<hbm>> -> memref<50x5xf32, #tpu.memory_space<hbm>>
        tpu.enqueue_dma source(%dma_start3A_590 : memref<50x5xf32, #tpu.memory_space<hbm>>) target(%arg8 : memref<50x5xf32, #tpu.memory_space<vmem>>) target_semaphore(%run_scoped3A_582 : memref<!tpu.dma_semaphore, #tpu.memory_space<semaphore_mem>>)
        %dma_wait3A = arith.constant 0 : i32
        %dma_wait3A_591 = arith.constant 0 : i32
        %dma_wait3A_592 = tpu.memref_slice %arg4[%add3A_95, %dma_wait3A, %dma_wait3A_591] : memref<16x50x5xf32, #tpu.memory_space<hbm>> -> memref<1x50x5xf32, #tpu.memory_space<hbm>>
        %dma_wait3A_593 = tpu.memref_squeeze %dma_wait3A_592 : memref<1x50x5xf32, #tpu.memory_space<hbm>> -> memref<50x5xf32, #tpu.memory_space<hbm>>
        %dma_wait3A_594 = arith.constant 0 : i32
        %dma_wait3A_595 = arith.constant 0 : i32
        %dma_wait3A_596 = tpu.memref_slice %arg4[%add3A_95, %dma_wait3A_594, %dma_wait3A_595] : memref<16x50x5xf32, #tpu.memory_space<hbm>> -> memref<1x50x5xf32, #tpu.memory_space<hbm>>
        %dma_wait3A_597 = tpu.memref_squeeze %dma_wait3A_596 : memref<1x50x5xf32, #tpu.memory_space<hbm>> -> memref<50x5xf32, #tpu.memory_space<hbm>>
        tpu.wait_dma2 semaphore(%run_scoped3A_582 : memref<!tpu.dma_semaphore, #tpu.memory_space<semaphore_mem>>) src(%dma_wait3A_597 : memref<50x5xf32, #tpu.memory_space<hbm>>) dst(%arg8 : memref<50x5xf32, #tpu.memory_space<vmem>>)
        tpu.yield
      }) : () -> ()
      "tpu.region"() ({
        %run_scoped3A_582 = tpu.sem_alloc : memref<!tpu.dma_semaphore, #tpu.memory_space<semaphore_mem>>
        tpu.enqueue_dma source(%arg3 : memref<3x2xf32, #tpu.memory_space<hbm>>) target(%arg9 : memref<3x2xf32, #tpu.memory_space<vmem>>) target_semaphore(%run_scoped3A_582 : memref<!tpu.dma_semaphore, #tpu.memory_space<semaphore_mem>>)
        tpu.wait_dma2 semaphore(%run_scoped3A_582 : memref<!tpu.dma_semaphore, #tpu.memory_space<semaphore_mem>>) src(%arg3 : memref<3x2xf32, #tpu.memory_space<hbm>>) dst(%arg9 : memref<3x2xf32, #tpu.memory_space<vmem>>)
        tpu.yield
      }) : () -> ()
      %add3A_96 = arith.constant 0 : i32
      %add3A_97 = vector.broadcast %add3A_96 : i32 to vector<16xi32>
      %add3A_98 = arith.addi %broadcast_in_dim3A_5, %add3A_97 : vector<16xi32>
      %gather3A = tpu.vector_load_idx %arg9[%add3A_98, %broadcast_in_dim3A_5] : memref<3x2xf32, #tpu.memory_space<vmem>>[vector<16xi32>, vector<16xi32>], vector<16xf32>,
      %add3A_99 = arith.constant 0 : i32
      %add3A_100 = vector.broadcast %add3A_99 : i32 to vector<16xi32>
      %add3A_101 = arith.addi %broadcast_in_dim3A_5, %add3A_100 : vector<16xi32>
      %add3A_102 = arith.constant 1 : i32
      %add3A_103 = vector.broadcast %add3A_102 : i32 to vector<16xi32>
      %add3A_104 = arith.addi %broadcast_in_dim3A_5, %add3A_103 : vector<16xi32>
      %gather3A_105 = tpu.vector_load_idx %arg9[%add3A_101, %add3A_104] : memref<3x2xf32, #tpu.memory_space<vmem>>[vector<16xi32>, vector<16xi32>], vector<16xf32>,
      %add3A_106 = arith.constant 1 : i32
      %add3A_107 = vector.broadcast %add3A_106 : i32 to vector<16xi32>
      %add3A_108 = arith.addi %broadcast_in_dim3A_5, %add3A_107 : vector<16xi32>
      %gather3A_109 = tpu.vector_load_idx %arg9[%add3A_108, %broadcast_in_dim3A_5] : memref<3x2xf32, #tpu.memory_space<vmem>>[vector<16xi32>, vector<16xi32>], vector<16xf32>,
      %add3A_110 = arith.constant 1 : i32
      %add3A_111 = vector.broadcast %add3A_110 : i32 to vector<16xi32>
      %add3A_112 = arith.addi %broadcast_in_dim3A_5, %add3A_111 : vector<16xi32>
      %add3A_113 = arith.constant 1 : i32
      %add3A_114 = vector.broadcast %add3A_113 : i32 to vector<16xi32>
      %add3A_115 = arith.addi %broadcast_in_dim3A_5, %add3A_114 : vector<16xi32>
      %gather3A_116 = tpu.vector_load_idx %arg9[%add3A_112, %add3A_115] : memref<3x2xf32, #tpu.memory_space<vmem>>[vector<16xi32>, vector<16xi32>], vector<16xf32>,
      %add3A_117 = arith.constant 2 : i32
      %add3A_118 = vector.broadcast %add3A_117 : i32 to vector<16xi32>
      %add3A_119 = arith.addi %broadcast_in_dim3A_5, %add3A_118 : vector<16xi32>
      %gather3A_120 = tpu.vector_load_idx %arg9[%add3A_119, %broadcast_in_dim3A_5] : memref<3x2xf32, #tpu.memory_space<vmem>>[vector<16xi32>, vector<16xi32>], vector<16xf32>,
      %add3A_121 = arith.constant 2 : i32
      %add3A_122 = vector.broadcast %add3A_121 : i32 to vector<16xi32>
      %add3A_123 = arith.addi %broadcast_in_dim3A_5, %add3A_122 : vector<16xi32>
      %add3A_124 = arith.constant 1 : i32
      %add3A_125 = vector.broadcast %add3A_124 : i32 to vector<16xi32>
      %add3A_126 = arith.addi %broadcast_in_dim3A_5, %add3A_125 : vector<16xi32>
      %gather3A_127 = tpu.vector_load_idx %arg9[%add3A_123, %add3A_126] : memref<3x2xf32, #tpu.memory_space<vmem>>[vector<16xi32>, vector<16xi32>], vector<16xf32>,
      %add3A_128 = arith.constant 0 : i32
      %add3A_129 = vector.broadcast %add3A_128 : i32 to vector<16xi32>
      %add3A_130 = arith.addi %iota3A, %add3A_129 : vector<16xi32>
      %lt3A_131 = arith.constant 50 : i32
      %lt3A_132 = vector.broadcast %lt3A_131 : i32 to vector<16xi32>
      %lt3A_133 = arith.cmpi slt, %add3A_130, %lt3A_132 : vector<16xi32>
      %min3A = arith.constant 49 : i32
      %min3A_134 = vector.broadcast %min3A : i32 to vector<16xi32>
      %min3A_135 = arith.minsi %add3A_130, %min3A_134 : vector<16xi32>
      %add3A_136 = arith.constant 1 : i32
      %add3A_137 = vector.broadcast %add3A_136 : i32 to vector<16xi32>
      %add3A_138 = arith.addi %broadcast_in_dim3A_5, %add3A_137 : vector<16xi32>
      %gather3A_139 = tpu.vector_load_idx %arg8[%min3A_135, %add3A_138] : memref<50x5xf32, #tpu.memory_space<vmem>>[vector<16xi32>, vector<16xi32>], vector<16xf32>,
      %add3A_140 = arith.constant 2 : i32
      %add3A_141 = vector.broadcast %add3A_140 : i32 to vector<16xi32>
      %add3A_142 = arith.addi %broadcast_in_dim3A_5, %add3A_141 : vector<16xi32>
      %gather3A_143 = tpu.vector_load_idx %arg8[%min3A_135, %add3A_142] : memref<50x5xf32, #tpu.memory_space<vmem>>[vector<16xi32>, vector<16xi32>], vector<16xf32>,
      %add3A_144 = arith.constant 3 : i32
      %add3A_145 = vector.broadcast %add3A_144 : i32 to vector<16xi32>
      %add3A_146 = arith.addi %broadcast_in_dim3A_5, %add3A_145 : vector<16xi32>
      %gather3A_147 = tpu.vector_load_idx %arg8[%min3A_135, %add3A_146] : memref<50x5xf32, #tpu.memory_space<vmem>>[vector<16xi32>, vector<16xi32>], vector<16xf32>,
      %mul3A_148 = arith.constant 6.400000e+01 : f32
      %mul3A_149 = vector.broadcast %mul3A_148 : f32 to vector<16xf32>
      %mul3A_150 = arith.mulf %gather3A_147, %mul3A_149 : vector<16xf32>
      %add3A_151 = arith.constant 4 : i32
      %add3A_152 = vector.broadcast %add3A_151 : i32 to vector<16xi32>
      %add3A_153 = arith.addi %broadcast_in_dim3A_5, %add3A_152 : vector<16xi32>
      %gather3A_154 = tpu.vector_load_idx %arg8[%min3A_135, %add3A_153] : memref<50x5xf32, #tpu.memory_space<vmem>>[vector<16xi32>, vector<16xi32>], vector<16xf32>,
      %mul3A_155 = arith.constant 6.400000e+01 : f32
      %mul3A_156 = vector.broadcast %mul3A_155 : f32 to vector<16xf32>
      %mul3A_157 = arith.mulf %gather3A_154, %mul3A_156 : vector<16xf32>
      %mul3A_158 = arith.constant 6.400000e+01 : f32
      %mul3A_159 = vector.broadcast %mul3A_158 : f32 to vector<16xf32>
      %mul3A_160 = arith.mulf %gather3A_139, %mul3A_159 : vector<16xf32>
      %convert_element_type3A_161 = arith.fptosi %mul3A_160 : vector<16xf32> to vector<16xi32>
      %jit3A = arith.constant 0 : i32
      %jit3A_162 = arith.constant 63 : i32
      %max3A = vector.broadcast %jit3A : i32 to vector<16xi32>
      %max3A_163 = arith.maxsi %max3A, %convert_element_type3A_161 : vector<16xi32>
      %min3A_164 = vector.broadcast %jit3A_162 : i32 to vector<16xi32>
      %min3A_165 = arith.minsi %min3A_164, %max3A_163 : vector<16xi32>
      %mul3A_166 = arith.constant 6.400000e+01 : f32
      %mul3A_167 = vector.broadcast %mul3A_166 : f32 to vector<16xf32>
      %mul3A_168 = arith.mulf %gather3A_143, %mul3A_167 : vector<16xf32>
      %convert_element_type3A_169 = arith.fptosi %mul3A_168 : vector<16xf32> to vector<16xi32>
      %jit3A_170 = arith.constant 0 : i32
      %jit3A_171 = arith.constant 63 : i32
      %max3A_172 = vector.broadcast %jit3A_170 : i32 to vector<16xi32>
      %max3A_173 = arith.maxsi %max3A_172, %convert_element_type3A_169 : vector<16xi32>
      %min3A_174 = vector.broadcast %jit3A_171 : i32 to vector<16xi32>
      %min3A_175 = arith.minsi %min3A_174, %max3A_173 : vector<16xi32>
      %mul3A_176 = arith.mulf %mul3A_150, %mul3A_157 : vector<16xf32>
      %min3A_177 = arith.minimumf %gather3A, %mul3A_150 : vector<16xf32>
      %min3A_178 = arith.minimumf %gather3A_105, %mul3A_157 : vector<16xf32>
      %mul3A_179 = arith.mulf %min3A_177, %min3A_178 : vector<16xf32>
      %mul3A_180 = arith.mulf %gather3A, %gather3A_105 : vector<16xf32>
      %add3A_181 = arith.addf %mul3A_180, %mul3A_176 : vector<16xf32>
      %sub3A = arith.subf %add3A_181, %mul3A_179 : vector<16xf32>
      %div3A = arith.divf %mul3A_179, %sub3A : vector<16xf32>
      %min3A_182 = arith.minimumf %gather3A_109, %mul3A_150 : vector<16xf32>
      %min3A_183 = arith.minimumf %gather3A_116, %mul3A_157 : vector<16xf32>
      %mul3A_184 = arith.mulf %min3A_182, %min3A_183 : vector<16xf32>
      %mul3A_185 = arith.mulf %gather3A_109, %gather3A_116 : vector<16xf32>
      %add3A_186 = arith.addf %mul3A_185, %mul3A_176 : vector<16xf32>
      %sub3A_187 = arith.subf %add3A_186, %mul3A_184 : vector<16xf32>
      %div3A_188 = arith.divf %mul3A_184, %sub3A_187 : vector<16xf32>
      %min3A_189 = arith.minimumf %gather3A_120, %mul3A_150 : vector<16xf32>
      %min3A_190 = arith.minimumf %gather3A_127, %mul3A_157 : vector<16xf32>
      %mul3A_191 = arith.mulf %min3A_189, %min3A_190 : vector<16xf32>
      %mul3A_192 = arith.mulf %gather3A_120, %gather3A_127 : vector<16xf32>
      %add3A_193 = arith.addf %mul3A_192, %mul3A_176 : vector<16xf32>
      %sub3A_194 = arith.subf %add3A_193, %mul3A_191 : vector<16xf32>
      %div3A_195 = arith.divf %mul3A_191, %sub3A_194 : vector<16xf32>
      %gt3A = arith.cmpf ogt, %div3A_188, %div3A : vector<16xf32>
      %ge3A = arith.cmpf oge, %div3A_188, %div3A_195 : vector<16xf32>
      %and3A = arith.andi %gt3A, %ge3A : vector<16xi1>
      %gt3A_196 = arith.cmpf ogt, %div3A_195, %div3A : vector<16xf32>
      %gt3A_197 = arith.cmpf ogt, %div3A_195, %div3A_188 : vector<16xf32>
      %and3A_198 = arith.andi %gt3A_196, %gt3A_197 : vector<16xi1>
      %max3A_199 = arith.maximumf %div3A, %div3A_188 : vector<16xf32>
      %max3A_200 = arith.maximumf %max3A_199, %div3A_195 : vector<16xf32>
      %gt3A_201 = arith.constant 9.99999974E-5 : f32
      %gt3A_202 = vector.broadcast %gt3A_201 : f32 to vector<16xf32>
      %gt3A_203 = arith.cmpf ogt, %max3A_200, %gt3A_202 : vector<16xf32>
      %convert_element_type3A_204 = arith.extui %and3A : vector<16xi1> to vector<16xi32>
      %convert_element_type3A_205 = arith.extui %and3A_198 : vector<16xi1> to vector<16xi32>
      %mul3A_206 = arith.constant 2 : i32
      %mul3A_207 = vector.broadcast %mul3A_206 : i32 to vector<16xi32>
      %mul3A_208 = arith.muli %mul3A_207, %convert_element_type3A_205 : vector<16xi32>
      %add3A_209 = arith.addi %convert_element_type3A_204, %mul3A_208 : vector<16xi32>
      %mul3A_210 = arith.constant 3 : i32
      %mul3A_211 = arith.muli %arg1, %mul3A_210 : i32
      %add3A_212 = vector.broadcast %mul3A_211 : i32 to vector<16xi32>
      %add3A_213 = arith.addi %add3A_212, %add3A_209 : vector<16xi32>
      %mul3A_214 = arith.constant 64 : i32
      %mul3A_215 = vector.broadcast %mul3A_214 : i32 to vector<16xi32>
      %mul3A_216 = arith.muli %add3A_213, %mul3A_215 : vector<16xi32>
      %add3A_217 = arith.addi %mul3A_216, %min3A_175 : vector<16xi32>
      %mul3A_218 = arith.constant 64 : i32
      %mul3A_219 = vector.broadcast %mul3A_218 : i32 to vector<16xi32>
      %mul3A_220 = arith.muli %add3A_217, %mul3A_219 : vector<16xi32>
      %add3A_221 = arith.addi %mul3A_220, %min3A_165 : vector<16xi32>
      %jit3A_222 = arith.constant 0 : i32
      %broadcast_in_dim3A_223 = vector.broadcast %jit3A_222 : i32 to vector<16xi32>
      %select_n3A = arith.select %lt3A_133, %add3A_221, %broadcast_in_dim3A_223 : vector<16xi1>, vector<16xi32>
      %and3A_224 = arith.andi %lt3A_133, %gt3A_203 : vector<16xi1>
      %jit3A_225 = arith.constant 1.000000e+00 : f32
      %jit3A_226 = arith.constant 0.000000e+00 : f32
      %broadcast_in_dim3A_227 = vector.broadcast %jit3A_225 : f32 to vector<16xf32>
      %broadcast_in_dim3A_228 = vector.broadcast %jit3A_226 : f32 to vector<16xf32>
      %select_n3A_229 = arith.select %and3A_224, %broadcast_in_dim3A_227, %broadcast_in_dim3A_228 : vector<16xi1>, vector<16xf32>
      %swap3A_230 = arith.constant 0 : i32
      %swap3A_231 = arith.index_cast %swap3A_230 : i32 to index
      %swap3A_232 = arith.constant 0 : index
      %swap3A_233 = tpu.vector_load %arg10[%swap3A_231, %swap3A_232] {strides = array<i32>} : memref<1x16xf32, #tpu.memory_space<vmem>>, vector<16xf32>,
      tpu.vector_store %arg10[%swap3A_231, %swap3A_232], %select_n3A_229 {strides = array<i32>} : memref<1x16xf32, #tpu.memory_space<vmem>>, vector<16xf32>,
      %run_scoped3A = arith.constant 0 : i32
      "tpu.region"() ({
        %run_scoped3A_582 = tpu.sem_alloc : memref<!tpu.dma_semaphore, #tpu.memory_space<semaphore_mem>>
        %dma_start3A_583 = arith.constant 0 : i32
        %dma_start3A_584 = tpu.memref_slice %arg10[%run_scoped3A, %dma_start3A_583] : memref<1x16xf32, #tpu.memory_space<vmem>> -> memref<1x16xf32, #tpu.memory_space<vmem>>
        %dma_start3A_585 = tpu.memref_squeeze %dma_start3A_584 : memref<1x16xf32, #tpu.memory_space<vmem>> -> memref<16xf32, #tpu.memory_space<vmem>>
        %dma_start3A_586 = arith.constant 0 : i32
        %dma_start3A_587 = tpu.memref_slice %arg11[%dma_start3A_586] : memref<61440xf32, #tpu.memory_space<vmem_shared>> -> memref<61440xf32, #tpu.memory_space<vmem_shared>>
        tpu.enqueue_indirect_dma source(%dma_start3A_585 : memref<16xf32, #tpu.memory_space<vmem>>) target(%dma_start3A_587 : memref<61440xf32, #tpu.memory_space<vmem_shared>>) offsets(%select_n3A : vector<16xi32>) semaphore(%run_scoped3A_582 : memref<!tpu.dma_semaphore, #tpu.memory_space<semaphore_mem>>) {add = true}
        %dma_wait3A = arith.constant 0 : i32
        %dma_wait3A_588 = tpu.memref_slice %arg10[%run_scoped3A, %dma_wait3A] : memref<1x16xf32, #tpu.memory_space<vmem>> -> memref<1x16xf32, #tpu.memory_space<vmem>>
        %dma_wait3A_589 = tpu.memref_squeeze %dma_wait3A_588 : memref<1x16xf32, #tpu.memory_space<vmem>> -> memref<16xf32, #tpu.memory_space<vmem>>
        %dma_wait3A_590 = arith.constant 0 : i32
        %dma_wait3A_591 = tpu.memref_slice %arg11[%dma_wait3A_590] : memref<61440xf32, #tpu.memory_space<vmem_shared>> -> memref<61440xf32, #tpu.memory_space<vmem_shared>>
        tpu.wait_indirect_dma semaphore(%run_scoped3A_582 : memref<!tpu.dma_semaphore, #tpu.memory_space<semaphore_mem>>) src(%dma_wait3A_589 : memref<16xf32, #tpu.memory_space<vmem>>) dst(%dma_wait3A_591 : memref<61440xf32, #tpu.memory_space<vmem_shared>>)
        tpu.yield
      }) : () -> ()
      %add3A_234 = arith.constant 16 : i32
      %add3A_235 = vector.broadcast %add3A_234 : i32 to vector<16xi32>
      %add3A_236 = arith.addi %iota3A, %add3A_235 : vector<16xi32>
      %lt3A_237 = arith.constant 50 : i32
      %lt3A_238 = vector.broadcast %lt3A_237 : i32 to vector<16xi32>
      %lt3A_239 = arith.cmpi slt, %add3A_236, %lt3A_238 : vector<16xi32>
      %min3A_240 = arith.constant 49 : i32
      %min3A_241 = vector.broadcast %min3A_240 : i32 to vector<16xi32>
      %min3A_242 = arith.minsi %add3A_236, %min3A_241 : vector<16xi32>
      %add3A_243 = arith.constant 1 : i32
      %add3A_244 = vector.broadcast %add3A_243 : i32 to vector<16xi32>
      %add3A_245 = arith.addi %broadcast_in_dim3A_5, %add3A_244 : vector<16xi32>
      %gather3A_246 = tpu.vector_load_idx %arg8[%min3A_242, %add3A_245] : memref<50x5xf32, #tpu.memory_space<vmem>>[vector<16xi32>, vector<16xi32>], vector<16xf32>,
      %add3A_247 = arith.constant 2 : i32
      %add3A_248 = vector.broadcast %add3A_247 : i32 to vector<16xi32>
      %add3A_249 = arith.addi %broadcast_in_dim3A_5, %add3A_248 : vector<16xi32>
      %gather3A_250 = tpu.vector_load_idx %arg8[%min3A_242, %add3A_249] : memref<50x5xf32, #tpu.memory_space<vmem>>[vector<16xi32>, vector<16xi32>], vector<16xf32>,
      %add3A_251 = arith.constant 3 : i32
      %add3A_252 = vector.broadcast %add3A_251 : i32 to vector<16xi32>
      %add3A_253 = arith.addi %broadcast_in_dim3A_5, %add3A_252 : vector<16xi32>
      %gather3A_254 = tpu.vector_load_idx %arg8[%min3A_242, %add3A_253] : memref<50x5xf32, #tpu.memory_space<vmem>>[vector<16xi32>, vector<16xi32>], vector<16xf32>,
      %mul3A_255 = arith.constant 6.400000e+01 : f32
      %mul3A_256 = vector.broadcast %mul3A_255 : f32 to vector<16xf32>
      %mul3A_257 = arith.mulf %gather3A_254, %mul3A_256 : vector<16xf32>
      %add3A_258 = arith.constant 4 : i32
      %add3A_259 = vector.broadcast %add3A_258 : i32 to vector<16xi32>
      %add3A_260 = arith.addi %broadcast_in_dim3A_5, %add3A_259 : vector<16xi32>
      %gather3A_261 = tpu.vector_load_idx %arg8[%min3A_242, %add3A_260] : memref<50x5xf32, #tpu.memory_space<vmem>>[vector<16xi32>, vector<16xi32>], vector<16xf32>,
      %mul3A_262 = arith.constant 6.400000e+01 : f32
      %mul3A_263 = vector.broadcast %mul3A_262 : f32 to vector<16xf32>
      %mul3A_264 = arith.mulf %gather3A_261, %mul3A_263 : vector<16xf32>
      %mul3A_265 = arith.constant 6.400000e+01 : f32
      %mul3A_266 = vector.broadcast %mul3A_265 : f32 to vector<16xf32>
      %mul3A_267 = arith.mulf %gather3A_246, %mul3A_266 : vector<16xf32>
      %convert_element_type3A_268 = arith.fptosi %mul3A_267 : vector<16xf32> to vector<16xi32>
      %jit3A_269 = arith.constant 0 : i32
      %jit3A_270 = arith.constant 63 : i32
      %max3A_271 = vector.broadcast %jit3A_269 : i32 to vector<16xi32>
      %max3A_272 = arith.maxsi %max3A_271, %convert_element_type3A_268 : vector<16xi32>
      %min3A_273 = vector.broadcast %jit3A_270 : i32 to vector<16xi32>
      %min3A_274 = arith.minsi %min3A_273, %max3A_272 : vector<16xi32>
      %mul3A_275 = arith.constant 6.400000e+01 : f32
      %mul3A_276 = vector.broadcast %mul3A_275 : f32 to vector<16xf32>
      %mul3A_277 = arith.mulf %gather3A_250, %mul3A_276 : vector<16xf32>
      %convert_element_type3A_278 = arith.fptosi %mul3A_277 : vector<16xf32> to vector<16xi32>
      %jit3A_279 = arith.constant 0 : i32
      %jit3A_280 = arith.constant 63 : i32
      %max3A_281 = vector.broadcast %jit3A_279 : i32 to vector<16xi32>
      %max3A_282 = arith.maxsi %max3A_281, %convert_element_type3A_278 : vector<16xi32>
      %min3A_283 = vector.broadcast %jit3A_280 : i32 to vector<16xi32>
      %min3A_284 = arith.minsi %min3A_283, %max3A_282 : vector<16xi32>
      %mul3A_285 = arith.mulf %mul3A_257, %mul3A_264 : vector<16xf32>
      %min3A_286 = arith.minimumf %gather3A, %mul3A_257 : vector<16xf32>
      %min3A_287 = arith.minimumf %gather3A_105, %mul3A_264 : vector<16xf32>
      %mul3A_288 = arith.mulf %min3A_286, %min3A_287 : vector<16xf32>
      %mul3A_289 = arith.mulf %gather3A, %gather3A_105 : vector<16xf32>
      %add3A_290 = arith.addf %mul3A_289, %mul3A_285 : vector<16xf32>
      %sub3A_291 = arith.subf %add3A_290, %mul3A_288 : vector<16xf32>
      %div3A_292 = arith.divf %mul3A_288, %sub3A_291 : vector<16xf32>
      %min3A_293 = arith.minimumf %gather3A_109, %mul3A_257 : vector<16xf32>
      %min3A_294 = arith.minimumf %gather3A_116, %mul3A_264 : vector<16xf32>
      %mul3A_295 = arith.mulf %min3A_293, %min3A_294 : vector<16xf32>
      %mul3A_296 = arith.mulf %gather3A_109, %gather3A_116 : vector<16xf32>
      %add3A_297 = arith.addf %mul3A_296, %mul3A_285 : vector<16xf32>
      %sub3A_298 = arith.subf %add3A_297, %mul3A_295 : vector<16xf32>
      %div3A_299 = arith.divf %mul3A_295, %sub3A_298 : vector<16xf32>
      %min3A_300 = arith.minimumf %gather3A_120, %mul3A_257 : vector<16xf32>
      %min3A_301 = arith.minimumf %gather3A_127, %mul3A_264 : vector<16xf32>
      %mul3A_302 = arith.mulf %min3A_300, %min3A_301 : vector<16xf32>
      %mul3A_303 = arith.mulf %gather3A_120, %gather3A_127 : vector<16xf32>
      %add3A_304 = arith.addf %mul3A_303, %mul3A_285 : vector<16xf32>
      %sub3A_305 = arith.subf %add3A_304, %mul3A_302 : vector<16xf32>
      %div3A_306 = arith.divf %mul3A_302, %sub3A_305 : vector<16xf32>
      %gt3A_307 = arith.cmpf ogt, %div3A_299, %div3A_292 : vector<16xf32>
      %ge3A_308 = arith.cmpf oge, %div3A_299, %div3A_306 : vector<16xf32>
      %and3A_309 = arith.andi %gt3A_307, %ge3A_308 : vector<16xi1>
      %gt3A_310 = arith.cmpf ogt, %div3A_306, %div3A_292 : vector<16xf32>
      %gt3A_311 = arith.cmpf ogt, %div3A_306, %div3A_299 : vector<16xf32>
      %and3A_312 = arith.andi %gt3A_310, %gt3A_311 : vector<16xi1>
      %max3A_313 = arith.maximumf %div3A_292, %div3A_299 : vector<16xf32>
      %max3A_314 = arith.maximumf %max3A_313, %div3A_306 : vector<16xf32>
      %gt3A_315 = arith.constant 9.99999974E-5 : f32
      %gt3A_316 = vector.broadcast %gt3A_315 : f32 to vector<16xf32>
      %gt3A_317 = arith.cmpf ogt, %max3A_314, %gt3A_316 : vector<16xf32>
      %convert_element_type3A_318 = arith.extui %and3A_309 : vector<16xi1> to vector<16xi32>
      %convert_element_type3A_319 = arith.extui %and3A_312 : vector<16xi1> to vector<16xi32>
      %mul3A_320 = arith.constant 2 : i32
      %mul3A_321 = vector.broadcast %mul3A_320 : i32 to vector<16xi32>
      %mul3A_322 = arith.muli %mul3A_321, %convert_element_type3A_319 : vector<16xi32>
      %add3A_323 = arith.addi %convert_element_type3A_318, %mul3A_322 : vector<16xi32>
      %mul3A_324 = arith.constant 3 : i32
      %mul3A_325 = arith.muli %arg1, %mul3A_324 : i32
      %add3A_326 = vector.broadcast %mul3A_325 : i32 to vector<16xi32>
      %add3A_327 = arith.addi %add3A_326, %add3A_323 : vector<16xi32>
      %mul3A_328 = arith.constant 64 : i32
      %mul3A_329 = vector.broadcast %mul3A_328 : i32 to vector<16xi32>
      %mul3A_330 = arith.muli %add3A_327, %mul3A_329 : vector<16xi32>
      %add3A_331 = arith.addi %mul3A_330, %min3A_284 : vector<16xi32>
      %mul3A_332 = arith.constant 64 : i32
      %mul3A_333 = vector.broadcast %mul3A_332 : i32 to vector<16xi32>
      %mul3A_334 = arith.muli %add3A_331, %mul3A_333 : vector<16xi32>
      %add3A_335 = arith.addi %mul3A_334, %min3A_274 : vector<16xi32>
      %jit3A_336 = arith.constant 0 : i32
      %broadcast_in_dim3A_337 = vector.broadcast %jit3A_336 : i32 to vector<16xi32>
      %select_n3A_338 = arith.select %lt3A_239, %add3A_335, %broadcast_in_dim3A_337 : vector<16xi1>, vector<16xi32>
      %and3A_339 = arith.andi %lt3A_239, %gt3A_317 : vector<16xi1>
      %jit3A_340 = arith.constant 1.000000e+00 : f32
      %jit3A_341 = arith.constant 0.000000e+00 : f32
      %broadcast_in_dim3A_342 = vector.broadcast %jit3A_340 : f32 to vector<16xf32>
      %broadcast_in_dim3A_343 = vector.broadcast %jit3A_341 : f32 to vector<16xf32>
      %select_n3A_344 = arith.select %and3A_339, %broadcast_in_dim3A_342, %broadcast_in_dim3A_343 : vector<16xi1>, vector<16xf32>
      %swap3A_345 = arith.constant 0 : i32
      %swap3A_346 = arith.index_cast %swap3A_345 : i32 to index
      %swap3A_347 = arith.constant 0 : index
      %swap3A_348 = tpu.vector_load %arg10[%swap3A_346, %swap3A_347] {strides = array<i32>} : memref<1x16xf32, #tpu.memory_space<vmem>>, vector<16xf32>,
      tpu.vector_store %arg10[%swap3A_346, %swap3A_347], %select_n3A_344 {strides = array<i32>} : memref<1x16xf32, #tpu.memory_space<vmem>>, vector<16xf32>,
      %run_scoped3A_349 = arith.constant 0 : i32
      "tpu.region"() ({
        %run_scoped3A_582 = tpu.sem_alloc : memref<!tpu.dma_semaphore, #tpu.memory_space<semaphore_mem>>
        %dma_start3A_583 = arith.constant 0 : i32
        %dma_start3A_584 = tpu.memref_slice %arg10[%run_scoped3A_349, %dma_start3A_583] : memref<1x16xf32, #tpu.memory_space<vmem>> -> memref<1x16xf32, #tpu.memory_space<vmem>>
        %dma_start3A_585 = tpu.memref_squeeze %dma_start3A_584 : memref<1x16xf32, #tpu.memory_space<vmem>> -> memref<16xf32, #tpu.memory_space<vmem>>
        %dma_start3A_586 = arith.constant 0 : i32
        %dma_start3A_587 = tpu.memref_slice %arg11[%dma_start3A_586] : memref<61440xf32, #tpu.memory_space<vmem_shared>> -> memref<61440xf32, #tpu.memory_space<vmem_shared>>
        tpu.enqueue_indirect_dma source(%dma_start3A_585 : memref<16xf32, #tpu.memory_space<vmem>>) target(%dma_start3A_587 : memref<61440xf32, #tpu.memory_space<vmem_shared>>) offsets(%select_n3A_338 : vector<16xi32>) semaphore(%run_scoped3A_582 : memref<!tpu.dma_semaphore, #tpu.memory_space<semaphore_mem>>) {add = true}
        %dma_wait3A = arith.constant 0 : i32
        %dma_wait3A_588 = tpu.memref_slice %arg10[%run_scoped3A_349, %dma_wait3A] : memref<1x16xf32, #tpu.memory_space<vmem>> -> memref<1x16xf32, #tpu.memory_space<vmem>>
        %dma_wait3A_589 = tpu.memref_squeeze %dma_wait3A_588 : memref<1x16xf32, #tpu.memory_space<vmem>> -> memref<16xf32, #tpu.memory_space<vmem>>
        %dma_wait3A_590 = arith.constant 0 : i32
        %dma_wait3A_591 = tpu.memref_slice %arg11[%dma_wait3A_590] : memref<61440xf32, #tpu.memory_space<vmem_shared>> -> memref<61440xf32, #tpu.memory_space<vmem_shared>>
        tpu.wait_indirect_dma semaphore(%run_scoped3A_582 : memref<!tpu.dma_semaphore, #tpu.memory_space<semaphore_mem>>) src(%dma_wait3A_589 : memref<16xf32, #tpu.memory_space<vmem>>) dst(%dma_wait3A_591 : memref<61440xf32, #tpu.memory_space<vmem_shared>>)
        tpu.yield
      }) : () -> ()
      %add3A_350 = arith.constant 32 : i32
      %add3A_351 = vector.broadcast %add3A_350 : i32 to vector<16xi32>
      %add3A_352 = arith.addi %iota3A, %add3A_351 : vector<16xi32>
      %lt3A_353 = arith.constant 50 : i32
      %lt3A_354 = vector.broadcast %lt3A_353 : i32 to vector<16xi32>
      %lt3A_355 = arith.cmpi slt, %add3A_352, %lt3A_354 : vector<16xi32>
      %min3A_356 = arith.constant 49 : i32
      %min3A_357 = vector.broadcast %min3A_356 : i32 to vector<16xi32>
      %min3A_358 = arith.minsi %add3A_352, %min3A_357 : vector<16xi32>
      %add3A_359 = arith.constant 1 : i32
      %add3A_360 = vector.broadcast %add3A_359 : i32 to vector<16xi32>
      %add3A_361 = arith.addi %broadcast_in_dim3A_5, %add3A_360 : vector<16xi32>
      %gather3A_362 = tpu.vector_load_idx %arg8[%min3A_358, %add3A_361] : memref<50x5xf32, #tpu.memory_space<vmem>>[vector<16xi32>, vector<16xi32>], vector<16xf32>,
      %add3A_363 = arith.constant 2 : i32
      %add3A_364 = vector.broadcast %add3A_363 : i32 to vector<16xi32>
      %add3A_365 = arith.addi %broadcast_in_dim3A_5, %add3A_364 : vector<16xi32>
      %gather3A_366 = tpu.vector_load_idx %arg8[%min3A_358, %add3A_365] : memref<50x5xf32, #tpu.memory_space<vmem>>[vector<16xi32>, vector<16xi32>], vector<16xf32>,
      %add3A_367 = arith.constant 3 : i32
      %add3A_368 = vector.broadcast %add3A_367 : i32 to vector<16xi32>
      %add3A_369 = arith.addi %broadcast_in_dim3A_5, %add3A_368 : vector<16xi32>
      %gather3A_370 = tpu.vector_load_idx %arg8[%min3A_358, %add3A_369] : memref<50x5xf32, #tpu.memory_space<vmem>>[vector<16xi32>, vector<16xi32>], vector<16xf32>,
      %mul3A_371 = arith.constant 6.400000e+01 : f32
      %mul3A_372 = vector.broadcast %mul3A_371 : f32 to vector<16xf32>
      %mul3A_373 = arith.mulf %gather3A_370, %mul3A_372 : vector<16xf32>
      %add3A_374 = arith.constant 4 : i32
      %add3A_375 = vector.broadcast %add3A_374 : i32 to vector<16xi32>
      %add3A_376 = arith.addi %broadcast_in_dim3A_5, %add3A_375 : vector<16xi32>
      %gather3A_377 = tpu.vector_load_idx %arg8[%min3A_358, %add3A_376] : memref<50x5xf32, #tpu.memory_space<vmem>>[vector<16xi32>, vector<16xi32>], vector<16xf32>,
      %mul3A_378 = arith.constant 6.400000e+01 : f32
      %mul3A_379 = vector.broadcast %mul3A_378 : f32 to vector<16xf32>
      %mul3A_380 = arith.mulf %gather3A_377, %mul3A_379 : vector<16xf32>
      %mul3A_381 = arith.constant 6.400000e+01 : f32
      %mul3A_382 = vector.broadcast %mul3A_381 : f32 to vector<16xf32>
      %mul3A_383 = arith.mulf %gather3A_362, %mul3A_382 : vector<16xf32>
      %convert_element_type3A_384 = arith.fptosi %mul3A_383 : vector<16xf32> to vector<16xi32>
      %jit3A_385 = arith.constant 0 : i32
      %jit3A_386 = arith.constant 63 : i32
      %max3A_387 = vector.broadcast %jit3A_385 : i32 to vector<16xi32>
      %max3A_388 = arith.maxsi %max3A_387, %convert_element_type3A_384 : vector<16xi32>
      %min3A_389 = vector.broadcast %jit3A_386 : i32 to vector<16xi32>
      %min3A_390 = arith.minsi %min3A_389, %max3A_388 : vector<16xi32>
      %mul3A_391 = arith.constant 6.400000e+01 : f32
      %mul3A_392 = vector.broadcast %mul3A_391 : f32 to vector<16xf32>
      %mul3A_393 = arith.mulf %gather3A_366, %mul3A_392 : vector<16xf32>
      %convert_element_type3A_394 = arith.fptosi %mul3A_393 : vector<16xf32> to vector<16xi32>
      %jit3A_395 = arith.constant 0 : i32
      %jit3A_396 = arith.constant 63 : i32
      %max3A_397 = vector.broadcast %jit3A_395 : i32 to vector<16xi32>
      %max3A_398 = arith.maxsi %max3A_397, %convert_element_type3A_394 : vector<16xi32>
      %min3A_399 = vector.broadcast %jit3A_396 : i32 to vector<16xi32>
      %min3A_400 = arith.minsi %min3A_399, %max3A_398 : vector<16xi32>
      %mul3A_401 = arith.mulf %mul3A_373, %mul3A_380 : vector<16xf32>
      %min3A_402 = arith.minimumf %gather3A, %mul3A_373 : vector<16xf32>
      %min3A_403 = arith.minimumf %gather3A_105, %mul3A_380 : vector<16xf32>
      %mul3A_404 = arith.mulf %min3A_402, %min3A_403 : vector<16xf32>
      %mul3A_405 = arith.mulf %gather3A, %gather3A_105 : vector<16xf32>
      %add3A_406 = arith.addf %mul3A_405, %mul3A_401 : vector<16xf32>
      %sub3A_407 = arith.subf %add3A_406, %mul3A_404 : vector<16xf32>
      %div3A_408 = arith.divf %mul3A_404, %sub3A_407 : vector<16xf32>
      %min3A_409 = arith.minimumf %gather3A_109, %mul3A_373 : vector<16xf32>
      %min3A_410 = arith.minimumf %gather3A_116, %mul3A_380 : vector<16xf32>
      %mul3A_411 = arith.mulf %min3A_409, %min3A_410 : vector<16xf32>
      %mul3A_412 = arith.mulf %gather3A_109, %gather3A_116 : vector<16xf32>
      %add3A_413 = arith.addf %mul3A_412, %mul3A_401 : vector<16xf32>
      %sub3A_414 = arith.subf %add3A_413, %mul3A_411 : vector<16xf32>
      %div3A_415 = arith.divf %mul3A_411, %sub3A_414 : vector<16xf32>
      %min3A_416 = arith.minimumf %gather3A_120, %mul3A_373 : vector<16xf32>
      %min3A_417 = arith.minimumf %gather3A_127, %mul3A_380 : vector<16xf32>
      %mul3A_418 = arith.mulf %min3A_416, %min3A_417 : vector<16xf32>
      %mul3A_419 = arith.mulf %gather3A_120, %gather3A_127 : vector<16xf32>
      %add3A_420 = arith.addf %mul3A_419, %mul3A_401 : vector<16xf32>
      %sub3A_421 = arith.subf %add3A_420, %mul3A_418 : vector<16xf32>
      %div3A_422 = arith.divf %mul3A_418, %sub3A_421 : vector<16xf32>
      %gt3A_423 = arith.cmpf ogt, %div3A_415, %div3A_408 : vector<16xf32>
      %ge3A_424 = arith.cmpf oge, %div3A_415, %div3A_422 : vector<16xf32>
      %and3A_425 = arith.andi %gt3A_423, %ge3A_424 : vector<16xi1>
      %gt3A_426 = arith.cmpf ogt, %div3A_422, %div3A_408 : vector<16xf32>
      %gt3A_427 = arith.cmpf ogt, %div3A_422, %div3A_415 : vector<16xf32>
      %and3A_428 = arith.andi %gt3A_426, %gt3A_427 : vector<16xi1>
      %max3A_429 = arith.maximumf %div3A_408, %div3A_415 : vector<16xf32>
      %max3A_430 = arith.maximumf %max3A_429, %div3A_422 : vector<16xf32>
      %gt3A_431 = arith.constant 9.99999974E-5 : f32
      %gt3A_432 = vector.broadcast %gt3A_431 : f32 to vector<16xf32>
      %gt3A_433 = arith.cmpf ogt, %max3A_430, %gt3A_432 : vector<16xf32>
      %convert_element_type3A_434 = arith.extui %and3A_425 : vector<16xi1> to vector<16xi32>
      %convert_element_type3A_435 = arith.extui %and3A_428 : vector<16xi1> to vector<16xi32>
      %mul3A_436 = arith.constant 2 : i32
      %mul3A_437 = vector.broadcast %mul3A_436 : i32 to vector<16xi32>
      %mul3A_438 = arith.muli %mul3A_437, %convert_element_type3A_435 : vector<16xi32>
      %add3A_439 = arith.addi %convert_element_type3A_434, %mul3A_438 : vector<16xi32>
      %mul3A_440 = arith.constant 3 : i32
      %mul3A_441 = arith.muli %arg1, %mul3A_440 : i32
      %add3A_442 = vector.broadcast %mul3A_441 : i32 to vector<16xi32>
      %add3A_443 = arith.addi %add3A_442, %add3A_439 : vector<16xi32>
      %mul3A_444 = arith.constant 64 : i32
      %mul3A_445 = vector.broadcast %mul3A_444 : i32 to vector<16xi32>
      %mul3A_446 = arith.muli %add3A_443, %mul3A_445 : vector<16xi32>
      %add3A_447 = arith.addi %mul3A_446, %min3A_400 : vector<16xi32>
      %mul3A_448 = arith.constant 64 : i32
      %mul3A_449 = vector.broadcast %mul3A_448 : i32 to vector<16xi32>
      %mul3A_450 = arith.muli %add3A_447, %mul3A_449 : vector<16xi32>
      %add3A_451 = arith.addi %mul3A_450, %min3A_390 : vector<16xi32>
      %jit3A_452 = arith.constant 0 : i32
      %broadcast_in_dim3A_453 = vector.broadcast %jit3A_452 : i32 to vector<16xi32>
      %select_n3A_454 = arith.select %lt3A_355, %add3A_451, %broadcast_in_dim3A_453 : vector<16xi1>, vector<16xi32>
      %and3A_455 = arith.andi %lt3A_355, %gt3A_433 : vector<16xi1>
      %jit3A_456 = arith.constant 1.000000e+00 : f32
      %jit3A_457 = arith.constant 0.000000e+00 : f32
      %broadcast_in_dim3A_458 = vector.broadcast %jit3A_456 : f32 to vector<16xf32>
      %broadcast_in_dim3A_459 = vector.broadcast %jit3A_457 : f32 to vector<16xf32>
      %select_n3A_460 = arith.select %and3A_455, %broadcast_in_dim3A_458, %broadcast_in_dim3A_459 : vector<16xi1>, vector<16xf32>
      %swap3A_461 = arith.constant 0 : i32
      %swap3A_462 = arith.index_cast %swap3A_461 : i32 to index
      %swap3A_463 = arith.constant 0 : index
      %swap3A_464 = tpu.vector_load %arg10[%swap3A_462, %swap3A_463] {strides = array<i32>} : memref<1x16xf32, #tpu.memory_space<vmem>>, vector<16xf32>,
      tpu.vector_store %arg10[%swap3A_462, %swap3A_463], %select_n3A_460 {strides = array<i32>} : memref<1x16xf32, #tpu.memory_space<vmem>>, vector<16xf32>,
      %run_scoped3A_465 = arith.constant 0 : i32
      "tpu.region"() ({
        %run_scoped3A_582 = tpu.sem_alloc : memref<!tpu.dma_semaphore, #tpu.memory_space<semaphore_mem>>
        %dma_start3A_583 = arith.constant 0 : i32
        %dma_start3A_584 = tpu.memref_slice %arg10[%run_scoped3A_465, %dma_start3A_583] : memref<1x16xf32, #tpu.memory_space<vmem>> -> memref<1x16xf32, #tpu.memory_space<vmem>>
        %dma_start3A_585 = tpu.memref_squeeze %dma_start3A_584 : memref<1x16xf32, #tpu.memory_space<vmem>> -> memref<16xf32, #tpu.memory_space<vmem>>
        %dma_start3A_586 = arith.constant 0 : i32
        %dma_start3A_587 = tpu.memref_slice %arg11[%dma_start3A_586] : memref<61440xf32, #tpu.memory_space<vmem_shared>> -> memref<61440xf32, #tpu.memory_space<vmem_shared>>
        tpu.enqueue_indirect_dma source(%dma_start3A_585 : memref<16xf32, #tpu.memory_space<vmem>>) target(%dma_start3A_587 : memref<61440xf32, #tpu.memory_space<vmem_shared>>) offsets(%select_n3A_454 : vector<16xi32>) semaphore(%run_scoped3A_582 : memref<!tpu.dma_semaphore, #tpu.memory_space<semaphore_mem>>) {add = true}
        %dma_wait3A = arith.constant 0 : i32
        %dma_wait3A_588 = tpu.memref_slice %arg10[%run_scoped3A_465, %dma_wait3A] : memref<1x16xf32, #tpu.memory_space<vmem>> -> memref<1x16xf32, #tpu.memory_space<vmem>>
        %dma_wait3A_589 = tpu.memref_squeeze %dma_wait3A_588 : memref<1x16xf32, #tpu.memory_space<vmem>> -> memref<16xf32, #tpu.memory_space<vmem>>
        %dma_wait3A_590 = arith.constant 0 : i32
        %dma_wait3A_591 = tpu.memref_slice %arg11[%dma_wait3A_590] : memref<61440xf32, #tpu.memory_space<vmem_shared>> -> memref<61440xf32, #tpu.memory_space<vmem_shared>>
        tpu.wait_indirect_dma semaphore(%run_scoped3A_582 : memref<!tpu.dma_semaphore, #tpu.memory_space<semaphore_mem>>) src(%dma_wait3A_589 : memref<16xf32, #tpu.memory_space<vmem>>) dst(%dma_wait3A_591 : memref<61440xf32, #tpu.memory_space<vmem_shared>>)
        tpu.yield
      }) : () -> ()
      %add3A_466 = arith.constant 48 : i32
      %add3A_467 = vector.broadcast %add3A_466 : i32 to vector<16xi32>
      %add3A_468 = arith.addi %iota3A, %add3A_467 : vector<16xi32>
      %lt3A_469 = arith.constant 50 : i32
      %lt3A_470 = vector.broadcast %lt3A_469 : i32 to vector<16xi32>
      %lt3A_471 = arith.cmpi slt, %add3A_468, %lt3A_470 : vector<16xi32>
      %min3A_472 = arith.constant 49 : i32
      %min3A_473 = vector.broadcast %min3A_472 : i32 to vector<16xi32>
      %min3A_474 = arith.minsi %add3A_468, %min3A_473 : vector<16xi32>
      %add3A_475 = arith.constant 1 : i32
      %add3A_476 = vector.broadcast %add3A_475 : i32 to vector<16xi32>
      %add3A_477 = arith.addi %broadcast_in_dim3A_5, %add3A_476 : vector<16xi32>
      %gather3A_478 = tpu.vector_load_idx %arg8[%min3A_474, %add3A_477] : memref<50x5xf32, #tpu.memory_space<vmem>>[vector<16xi32>, vector<16xi32>], vector<16xf32>,
      %add3A_479 = arith.constant 2 : i32
      %add3A_480 = vector.broadcast %add3A_479 : i32 to vector<16xi32>
      %add3A_481 = arith.addi %broadcast_in_dim3A_5, %add3A_480 : vector<16xi32>
      %gather3A_482 = tpu.vector_load_idx %arg8[%min3A_474, %add3A_481] : memref<50x5xf32, #tpu.memory_space<vmem>>[vector<16xi32>, vector<16xi32>], vector<16xf32>,
      %add3A_483 = arith.constant 3 : i32
      %add3A_484 = vector.broadcast %add3A_483 : i32 to vector<16xi32>
      %add3A_485 = arith.addi %broadcast_in_dim3A_5, %add3A_484 : vector<16xi32>
      %gather3A_486 = tpu.vector_load_idx %arg8[%min3A_474, %add3A_485] : memref<50x5xf32, #tpu.memory_space<vmem>>[vector<16xi32>, vector<16xi32>], vector<16xf32>,
      %mul3A_487 = arith.constant 6.400000e+01 : f32
      %mul3A_488 = vector.broadcast %mul3A_487 : f32 to vector<16xf32>
      %mul3A_489 = arith.mulf %gather3A_486, %mul3A_488 : vector<16xf32>
      %add3A_490 = arith.constant 4 : i32
      %add3A_491 = vector.broadcast %add3A_490 : i32 to vector<16xi32>
      %add3A_492 = arith.addi %broadcast_in_dim3A_5, %add3A_491 : vector<16xi32>
      %gather3A_493 = tpu.vector_load_idx %arg8[%min3A_474, %add3A_492] : memref<50x5xf32, #tpu.memory_space<vmem>>[vector<16xi32>, vector<16xi32>], vector<16xf32>,
      %mul3A_494 = arith.constant 6.400000e+01 : f32
      %mul3A_495 = vector.broadcast %mul3A_494 : f32 to vector<16xf32>
      %mul3A_496 = arith.mulf %gather3A_493, %mul3A_495 : vector<16xf32>
      %mul3A_497 = arith.constant 6.400000e+01 : f32
      %mul3A_498 = vector.broadcast %mul3A_497 : f32 to vector<16xf32>
      %mul3A_499 = arith.mulf %gather3A_478, %mul3A_498 : vector<16xf32>
      %convert_element_type3A_500 = arith.fptosi %mul3A_499 : vector<16xf32> to vector<16xi32>
      %jit3A_501 = arith.constant 0 : i32
      %jit3A_502 = arith.constant 63 : i32
      %max3A_503 = vector.broadcast %jit3A_501 : i32 to vector<16xi32>
      %max3A_504 = arith.maxsi %max3A_503, %convert_element_type3A_500 : vector<16xi32>
      %min3A_505 = vector.broadcast %jit3A_502 : i32 to vector<16xi32>
      %min3A_506 = arith.minsi %min3A_505, %max3A_504 : vector<16xi32>
      %mul3A_507 = arith.constant 6.400000e+01 : f32
      %mul3A_508 = vector.broadcast %mul3A_507 : f32 to vector<16xf32>
      %mul3A_509 = arith.mulf %gather3A_482, %mul3A_508 : vector<16xf32>
      %convert_element_type3A_510 = arith.fptosi %mul3A_509 : vector<16xf32> to vector<16xi32>
      %jit3A_511 = arith.constant 0 : i32
      %jit3A_512 = arith.constant 63 : i32
      %max3A_513 = vector.broadcast %jit3A_511 : i32 to vector<16xi32>
      %max3A_514 = arith.maxsi %max3A_513, %convert_element_type3A_510 : vector<16xi32>
      %min3A_515 = vector.broadcast %jit3A_512 : i32 to vector<16xi32>
      %min3A_516 = arith.minsi %min3A_515, %max3A_514 : vector<16xi32>
      %mul3A_517 = arith.mulf %mul3A_489, %mul3A_496 : vector<16xf32>
      %min3A_518 = arith.minimumf %gather3A, %mul3A_489 : vector<16xf32>
      %min3A_519 = arith.minimumf %gather3A_105, %mul3A_496 : vector<16xf32>
      %mul3A_520 = arith.mulf %min3A_518, %min3A_519 : vector<16xf32>
      %mul3A_521 = arith.mulf %gather3A, %gather3A_105 : vector<16xf32>
      %add3A_522 = arith.addf %mul3A_521, %mul3A_517 : vector<16xf32>
      %sub3A_523 = arith.subf %add3A_522, %mul3A_520 : vector<16xf32>
      %div3A_524 = arith.divf %mul3A_520, %sub3A_523 : vector<16xf32>
      %min3A_525 = arith.minimumf %gather3A_109, %mul3A_489 : vector<16xf32>
      %min3A_526 = arith.minimumf %gather3A_116, %mul3A_496 : vector<16xf32>
      %mul3A_527 = arith.mulf %min3A_525, %min3A_526 : vector<16xf32>
      %mul3A_528 = arith.mulf %gather3A_109, %gather3A_116 : vector<16xf32>
      %add3A_529 = arith.addf %mul3A_528, %mul3A_517 : vector<16xf32>
      %sub3A_530 = arith.subf %add3A_529, %mul3A_527 : vector<16xf32>
      %div3A_531 = arith.divf %mul3A_527, %sub3A_530 : vector<16xf32>
      %min3A_532 = arith.minimumf %gather3A_120, %mul3A_489 : vector<16xf32>
      %min3A_533 = arith.minimumf %gather3A_127, %mul3A_496 : vector<16xf32>
      %mul3A_534 = arith.mulf %min3A_532, %min3A_533 : vector<16xf32>
      %mul3A_535 = arith.mulf %gather3A_120, %gather3A_127 : vector<16xf32>
      %add3A_536 = arith.addf %mul3A_535, %mul3A_517 : vector<16xf32>
      %sub3A_537 = arith.subf %add3A_536, %mul3A_534 : vector<16xf32>
      %div3A_538 = arith.divf %mul3A_534, %sub3A_537 : vector<16xf32>
      %gt3A_539 = arith.cmpf ogt, %div3A_531, %div3A_524 : vector<16xf32>
      %ge3A_540 = arith.cmpf oge, %div3A_531, %div3A_538 : vector<16xf32>
      %and3A_541 = arith.andi %gt3A_539, %ge3A_540 : vector<16xi1>
      %gt3A_542 = arith.cmpf ogt, %div3A_538, %div3A_524 : vector<16xf32>
      %gt3A_543 = arith.cmpf ogt, %div3A_538, %div3A_531 : vector<16xf32>
      %and3A_544 = arith.andi %gt3A_542, %gt3A_543 : vector<16xi1>
      %max3A_545 = arith.maximumf %div3A_524, %div3A_531 : vector<16xf32>
      %max3A_546 = arith.maximumf %max3A_545, %div3A_538 : vector<16xf32>
      %gt3A_547 = arith.constant 9.99999974E-5 : f32
      %gt3A_548 = vector.broadcast %gt3A_547 : f32 to vector<16xf32>
      %gt3A_549 = arith.cmpf ogt, %max3A_546, %gt3A_548 : vector<16xf32>
      %convert_element_type3A_550 = arith.extui %and3A_541 : vector<16xi1> to vector<16xi32>
      %convert_element_type3A_551 = arith.extui %and3A_544 : vector<16xi1> to vector<16xi32>
      %mul3A_552 = arith.constant 2 : i32
      %mul3A_553 = vector.broadcast %mul3A_552 : i32 to vector<16xi32>
      %mul3A_554 = arith.muli %mul3A_553, %convert_element_type3A_551 : vector<16xi32>
      %add3A_555 = arith.addi %convert_element_type3A_550, %mul3A_554 : vector<16xi32>
      %mul3A_556 = arith.constant 3 : i32
      %mul3A_557 = arith.muli %arg1, %mul3A_556 : i32
      %add3A_558 = vector.broadcast %mul3A_557 : i32 to vector<16xi32>
      %add3A_559 = arith.addi %add3A_558, %add3A_555 : vector<16xi32>
      %mul3A_560 = arith.constant 64 : i32
      %mul3A_561 = vector.broadcast %mul3A_560 : i32 to vector<16xi32>
      %mul3A_562 = arith.muli %add3A_559, %mul3A_561 : vector<16xi32>
      %add3A_563 = arith.addi %mul3A_562, %min3A_516 : vector<16xi32>
      %mul3A_564 = arith.constant 64 : i32
      %mul3A_565 = vector.broadcast %mul3A_564 : i32 to vector<16xi32>
      %mul3A_566 = arith.muli %add3A_563, %mul3A_565 : vector<16xi32>
      %add3A_567 = arith.addi %mul3A_566, %min3A_506 : vector<16xi32>
      %jit3A_568 = arith.constant 0 : i32
      %broadcast_in_dim3A_569 = vector.broadcast %jit3A_568 : i32 to vector<16xi32>
      %select_n3A_570 = arith.select %lt3A_471, %add3A_567, %broadcast_in_dim3A_569 : vector<16xi1>, vector<16xi32>
      %and3A_571 = arith.andi %lt3A_471, %gt3A_549 : vector<16xi1>
      %jit3A_572 = arith.constant 1.000000e+00 : f32
      %jit3A_573 = arith.constant 0.000000e+00 : f32
      %broadcast_in_dim3A_574 = vector.broadcast %jit3A_572 : f32 to vector<16xf32>
      %broadcast_in_dim3A_575 = vector.broadcast %jit3A_573 : f32 to vector<16xf32>
      %select_n3A_576 = arith.select %and3A_571, %broadcast_in_dim3A_574, %broadcast_in_dim3A_575 : vector<16xi1>, vector<16xf32>
      %swap3A_577 = arith.constant 0 : i32
      %swap3A_578 = arith.index_cast %swap3A_577 : i32 to index
      %swap3A_579 = arith.constant 0 : index
      %swap3A_580 = tpu.vector_load %arg10[%swap3A_578, %swap3A_579] {strides = array<i32>} : memref<1x16xf32, #tpu.memory_space<vmem>>, vector<16xf32>,
      tpu.vector_store %arg10[%swap3A_578, %swap3A_579], %select_n3A_576 {strides = array<i32>} : memref<1x16xf32, #tpu.memory_space<vmem>>, vector<16xf32>,
      %run_scoped3A_581 = arith.constant 0 : i32
      "tpu.region"() ({
        %run_scoped3A_582 = tpu.sem_alloc : memref<!tpu.dma_semaphore, #tpu.memory_space<semaphore_mem>>
        %dma_start3A_583 = arith.constant 0 : i32
        %dma_start3A_584 = tpu.memref_slice %arg10[%run_scoped3A_581, %dma_start3A_583] : memref<1x16xf32, #tpu.memory_space<vmem>> -> memref<1x16xf32, #tpu.memory_space<vmem>>
        %dma_start3A_585 = tpu.memref_squeeze %dma_start3A_584 : memref<1x16xf32, #tpu.memory_space<vmem>> -> memref<16xf32, #tpu.memory_space<vmem>>
        %dma_start3A_586 = arith.constant 0 : i32
        %dma_start3A_587 = tpu.memref_slice %arg11[%dma_start3A_586] : memref<61440xf32, #tpu.memory_space<vmem_shared>> -> memref<61440xf32, #tpu.memory_space<vmem_shared>>
        tpu.enqueue_indirect_dma source(%dma_start3A_585 : memref<16xf32, #tpu.memory_space<vmem>>) target(%dma_start3A_587 : memref<61440xf32, #tpu.memory_space<vmem_shared>>) offsets(%select_n3A_570 : vector<16xi32>) semaphore(%run_scoped3A_582 : memref<!tpu.dma_semaphore, #tpu.memory_space<semaphore_mem>>) {add = true}
        %dma_wait3A = arith.constant 0 : i32
        %dma_wait3A_588 = tpu.memref_slice %arg10[%run_scoped3A_581, %dma_wait3A] : memref<1x16xf32, #tpu.memory_space<vmem>> -> memref<1x16xf32, #tpu.memory_space<vmem>>
        %dma_wait3A_589 = tpu.memref_squeeze %dma_wait3A_588 : memref<1x16xf32, #tpu.memory_space<vmem>> -> memref<16xf32, #tpu.memory_space<vmem>>
        %dma_wait3A_590 = arith.constant 0 : i32
        %dma_wait3A_591 = tpu.memref_slice %arg11[%dma_wait3A_590] : memref<61440xf32, #tpu.memory_space<vmem_shared>> -> memref<61440xf32, #tpu.memory_space<vmem_shared>>
        tpu.wait_indirect_dma semaphore(%run_scoped3A_582 : memref<!tpu.dma_semaphore, #tpu.memory_space<semaphore_mem>>) src(%dma_wait3A_589 : memref<16xf32, #tpu.memory_space<vmem>>) dst(%dma_wait3A_591 : memref<61440xf32, #tpu.memory_space<vmem_shared>>)
        tpu.yield
      }) : () -> ()
    } else {
    }
    %barrier3A_81 = arith.constant 0 : index
    tpu.barrier barrier_id(%barrier3A_81)
    %mul3A_82 = arith.constant 3840 : i32
    %mul3A_83 = arith.muli %arg1, %mul3A_82 : i32
    "tpu.region"() ({
      %run_scoped3A = tpu.sem_alloc : memref<!tpu.dma_semaphore, #tpu.memory_space<semaphore_mem>>
      %dma_start3A_93 = tpu.memref_slice %arg11[%mul3A_83] : memref<61440xf32, #tpu.memory_space<vmem_shared>> -> memref<3840xf32, #tpu.memory_space<vmem_shared>>
      %dma_start3A_94 = tpu.memref_slice %arg11[%mul3A_83] : memref<61440xf32, #tpu.memory_space<vmem_shared>> -> memref<3840xf32, #tpu.memory_space<vmem_shared>>
      tpu.enqueue_dma source(%dma_start3A_94 : memref<3840xf32, #tpu.memory_space<vmem_shared>>) target(%arg7 : memref<3840xf32, #tpu.memory_space<vmem>>) target_semaphore(%run_scoped3A : memref<!tpu.dma_semaphore, #tpu.memory_space<semaphore_mem>>)
      %dma_wait3A = tpu.memref_slice %arg11[%mul3A_83] : memref<61440xf32, #tpu.memory_space<vmem_shared>> -> memref<3840xf32, #tpu.memory_space<vmem_shared>>
      %dma_wait3A_95 = tpu.memref_slice %arg11[%mul3A_83] : memref<61440xf32, #tpu.memory_space<vmem_shared>> -> memref<3840xf32, #tpu.memory_space<vmem_shared>>
      tpu.wait_dma2 semaphore(%run_scoped3A : memref<!tpu.dma_semaphore, #tpu.memory_space<semaphore_mem>>) src(%dma_wait3A_95 : memref<3840xf32, #tpu.memory_space<vmem_shared>>) dst(%arg7 : memref<3840xf32, #tpu.memory_space<vmem>>)
      tpu.yield
    }) : () -> ()
    %scan3A_84 = arith.constant 0 : i32
    %scan3A_85 = arith.constant 20 : i32
    %scan3A_86 = arith.addi %scan3A_84, %scan3A_85 : i32
    %scan3A_87 = arith.constant 1 : i32
    %scan3A_88 = scf.for %scan3A_93 = %scan3A_84 to %scan3A_86 step %scan3A_87 iter_args(%scan3A_94 = %broadcast_in_dim3A_3) -> (vector<16xf32>)  : i32 {
      %add3A_95 = arith.constant 4 : i32
      %add3A_96 = arith.addi %scan3A_93, %add3A_95 : i32
      %sub3A = arith.constant 1 : i32
      %sub3A_97 = arith.subi %add3A_96, %sub3A : i32
      %lt3A_98 = arith.constant 20 : i32
      %lt3A_99 = arith.cmpi slt, %sub3A_97, %lt3A_98 : i32
      %convert_element_type3A_100 = arith.extui %lt3A_99 : i1 to i32
      %cond3A_101 = arith.constant 0 : i32
      %cond3A_102 = arith.cmpi ne, %convert_element_type3A_100, %cond3A_101 : i32
      scf.if %cond3A_102 {
        %add3A_171 = arith.constant 4 : i32
        %add3A_172 = arith.addi %scan3A_93, %add3A_171 : i32
        %sub3A_173 = arith.constant 1 : i32
        %sub3A_174 = arith.subi %add3A_172, %sub3A_173 : i32
        %mul3A_175 = arith.constant 3 : i32
        %mul3A_176 = arith.muli %sub3A_174, %mul3A_175 : i32
        %add3A_177 = arith.addi %mul3A_2, %mul3A_176 : i32
        %jit3A_178 = arith.constant 4 : i32
        %eq3A_179 = arith.constant 0 : i32
        %eq3A_180 = arith.cmpi eq, %jit3A_178, %eq3A_179 : i32
        %jit3A_181 = arith.constant 1 : i32
        %select_n3A_182 = arith.select %eq3A_180, %jit3A_181, %jit3A_178 : i32
        %rem3A_183 = arith.remsi %sub3A_174, %select_n3A_182 : i32
        %ne3A_184 = arith.constant 0 : i32
        %ne3A_185 = arith.cmpi ne, %rem3A_183, %ne3A_184 : i32
        %lt3A_186 = arith.constant 0 : i32
        %lt3A_187 = arith.cmpi slt, %rem3A_183, %lt3A_186 : i32
        %lt3A_188 = arith.constant 0 : i32
        %lt3A_189 = arith.cmpi slt, %select_n3A_182, %lt3A_188 : i32
        %ne3A_190 = arith.xori %lt3A_187, %lt3A_189 : i1
        %and3A_191 = arith.andi %ne3A_190, %ne3A_185 : i1
        %add3A_192 = arith.addi %rem3A_183, %select_n3A_182 : i32
        %select_n3A_193 = arith.select %and3A_191, %add3A_192, %rem3A_183 : i32
        %jit3A_194 = arith.constant 4 : i32
        %eq3A_195 = arith.constant 0 : i32
        %eq3A_196 = arith.cmpi eq, %jit3A_194, %eq3A_195 : i32
        %jit3A_197 = arith.constant 1 : i32
        %select_n3A_198 = arith.select %eq3A_196, %jit3A_197, %jit3A_194 : i32
        %rem3A_199 = arith.remsi %sub3A_174, %select_n3A_198 : i32
        %ne3A_200 = arith.constant 0 : i32
        %ne3A_201 = arith.cmpi ne, %rem3A_199, %ne3A_200 : i32
        %lt3A_202 = arith.constant 0 : i32
        %lt3A_203 = arith.cmpi slt, %rem3A_199, %lt3A_202 : i32
        %lt3A_204 = arith.constant 0 : i32
        %lt3A_205 = arith.cmpi slt, %select_n3A_198, %lt3A_204 : i32
        %ne3A_206 = arith.xori %lt3A_203, %lt3A_205 : i1
        %and3A_207 = arith.andi %ne3A_206, %ne3A_201 : i1
        %add3A_208 = arith.addi %rem3A_199, %select_n3A_198 : i32
        %select_n3A_209 = arith.select %and3A_207, %add3A_208, %rem3A_199 : i32
        %dma_start3A_210 = arith.constant 0 : i32
        %dma_start3A_211 = arith.constant 0 : i32
        %dma_start3A_212 = arith.constant 0 : i32
        %dma_start3A_213 = tpu.memref_slice %arg6[%select_n3A_193, %dma_start3A_210, %dma_start3A_211, %dma_start3A_212] : memref<4x3x64x85xf32, #tpu.memory_space<vmem>> -> memref<1x3x64x85xf32, #tpu.memory_space<vmem>>
        %dma_start3A_214 = tpu.memref_squeeze %dma_start3A_213 : memref<1x3x64x85xf32, #tpu.memory_space<vmem>> -> memref<3x64x85xf32, #tpu.memory_space<vmem>>
        %dma_start3A_215 = arith.constant 0 : i32
        %dma_start3A_216 = arith.constant 0 : i32
        %dma_start3A_217 = tpu.memref_slice %arg2[%add3A_177, %dma_start3A_215, %dma_start3A_216] : memref<3072x64x85xf32, #tpu.memory_space<hbm>> -> memref<3x64x85xf32, #tpu.memory_space<hbm>>
        %dma_start3A_218 = tpu.memref_slice %arg12[%select_n3A_209] : memref<4x!tpu.dma_semaphore, #tpu.memory_space<semaphore_mem>> -> memref<1x!tpu.dma_semaphore, #tpu.memory_space<semaphore_mem>>
        %dma_start3A_219 = tpu.memref_squeeze %dma_start3A_218 : memref<1x!tpu.dma_semaphore, #tpu.memory_space<semaphore_mem>> -> memref<!tpu.dma_semaphore, #tpu.memory_space<semaphore_mem>>
        %dma_start3A_220 = arith.constant 0 : i32
        %dma_start3A_221 = arith.constant 0 : i32
        %dma_start3A_222 = arith.constant 0 : i32
        %dma_start3A_223 = tpu.memref_slice %arg6[%select_n3A_193, %dma_start3A_220, %dma_start3A_221, %dma_start3A_222] : memref<4x3x64x85xf32, #tpu.memory_space<vmem>> -> memref<1x3x64x85xf32, #tpu.memory_space<vmem>>
        %dma_start3A_224 = tpu.memref_squeeze %dma_start3A_223 : memref<1x3x64x85xf32, #tpu.memory_space<vmem>> -> memref<3x64x85xf32, #tpu.memory_space<vmem>>
        %dma_start3A_225 = arith.constant 0 : i32
        %dma_start3A_226 = arith.constant 0 : i32
        %dma_start3A_227 = tpu.memref_slice %arg2[%add3A_177, %dma_start3A_225, %dma_start3A_226] : memref<3072x64x85xf32, #tpu.memory_space<hbm>> -> memref<3x64x85xf32, #tpu.memory_space<hbm>>
        tpu.enqueue_dma source(%dma_start3A_227 : memref<3x64x85xf32, #tpu.memory_space<hbm>>) target(%dma_start3A_224 : memref<3x64x85xf32, #tpu.memory_space<vmem>>) target_semaphore(%dma_start3A_219 : memref<!tpu.dma_semaphore, #tpu.memory_space<semaphore_mem>>)
      } else {
      }
      %mul3A_103 = arith.constant 3 : i32
      %mul3A_104 = arith.muli %scan3A_93, %mul3A_103 : i32
      %add3A_105 = arith.addi %mul3A_2, %mul3A_104 : i32
      %jit3A = arith.constant 4 : i32
      %eq3A = arith.constant 0 : i32
      %eq3A_106 = arith.cmpi eq, %jit3A, %eq3A : i32
      %jit3A_107 = arith.constant 1 : i32
      %select_n3A = arith.select %eq3A_106, %jit3A_107, %jit3A : i32
      %rem3A = arith.remsi %scan3A_93, %select_n3A : i32
      %ne3A = arith.constant 0 : i32
      %ne3A_108 = arith.cmpi ne, %rem3A, %ne3A : i32
      %lt3A_109 = arith.constant 0 : i32
      %lt3A_110 = arith.cmpi slt, %rem3A, %lt3A_109 : i32
      %lt3A_111 = arith.constant 0 : i32
      %lt3A_112 = arith.cmpi slt, %select_n3A, %lt3A_111 : i32
      %ne3A_113 = arith.xori %lt3A_110, %lt3A_112 : i1
      %and3A = arith.andi %ne3A_113, %ne3A_108 : i1
      %add3A_114 = arith.addi %rem3A, %select_n3A : i32
      %select_n3A_115 = arith.select %and3A, %add3A_114, %rem3A : i32
      %jit3A_116 = arith.constant 4 : i32
      %eq3A_117 = arith.constant 0 : i32
      %eq3A_118 = arith.cmpi eq, %jit3A_116, %eq3A_117 : i32
      %jit3A_119 = arith.constant 1 : i32
      %select_n3A_120 = arith.select %eq3A_118, %jit3A_119, %jit3A_116 : i32
      %rem3A_121 = arith.remsi %scan3A_93, %select_n3A_120 : i32
      %ne3A_122 = arith.constant 0 : i32
      %ne3A_123 = arith.cmpi ne, %rem3A_121, %ne3A_122 : i32
      %lt3A_124 = arith.constant 0 : i32
      %lt3A_125 = arith.cmpi slt, %rem3A_121, %lt3A_124 : i32
      %lt3A_126 = arith.constant 0 : i32
      %lt3A_127 = arith.cmpi slt, %select_n3A_120, %lt3A_126 : i32
      %ne3A_128 = arith.xori %lt3A_125, %lt3A_127 : i1
      %and3A_129 = arith.andi %ne3A_128, %ne3A_123 : i1
      %add3A_130 = arith.addi %rem3A_121, %select_n3A_120 : i32
      %select_n3A_131 = arith.select %and3A_129, %add3A_130, %rem3A_121 : i32
      %dma_wait3A = arith.constant 0 : i32
      %dma_wait3A_132 = arith.constant 0 : i32
      %dma_wait3A_133 = arith.constant 0 : i32
      %dma_wait3A_134 = tpu.memref_slice %arg6[%select_n3A_115, %dma_wait3A, %dma_wait3A_132, %dma_wait3A_133] : memref<4x3x64x85xf32, #tpu.memory_space<vmem>> -> memref<1x3x64x85xf32, #tpu.memory_space<vmem>>
      %dma_wait3A_135 = tpu.memref_squeeze %dma_wait3A_134 : memref<1x3x64x85xf32, #tpu.memory_space<vmem>> -> memref<3x64x85xf32, #tpu.memory_space<vmem>>
      %dma_wait3A_136 = arith.constant 0 : i32
      %dma_wait3A_137 = arith.constant 0 : i32
      %dma_wait3A_138 = tpu.memref_slice %arg2[%add3A_105, %dma_wait3A_136, %dma_wait3A_137] : memref<3072x64x85xf32, #tpu.memory_space<hbm>> -> memref<3x64x85xf32, #tpu.memory_space<hbm>>
      %dma_wait3A_139 = tpu.memref_slice %arg12[%select_n3A_131] : memref<4x!tpu.dma_semaphore, #tpu.memory_space<semaphore_mem>> -> memref<1x!tpu.dma_semaphore, #tpu.memory_space<semaphore_mem>>
      %dma_wait3A_140 = tpu.memref_squeeze %dma_wait3A_139 : memref<1x!tpu.dma_semaphore, #tpu.memory_space<semaphore_mem>> -> memref<!tpu.dma_semaphore, #tpu.memory_space<semaphore_mem>>
      %dma_wait3A_141 = arith.constant 0 : i32
      %dma_wait3A_142 = arith.constant 0 : i32
      %dma_wait3A_143 = arith.constant 0 : i32
      %dma_wait3A_144 = tpu.memref_slice %arg6[%select_n3A_115, %dma_wait3A_141, %dma_wait3A_142, %dma_wait3A_143] : memref<4x3x64x85xf32, #tpu.memory_space<vmem>> -> memref<1x3x64x85xf32, #tpu.memory_space<vmem>>
      %dma_wait3A_145 = tpu.memref_squeeze %dma_wait3A_144 : memref<1x3x64x85xf32, #tpu.memory_space<vmem>> -> memref<3x64x85xf32, #tpu.memory_space<vmem>>
      %dma_wait3A_146 = arith.constant 0 : i32
      %dma_wait3A_147 = arith.constant 0 : i32
      %dma_wait3A_148 = tpu.memref_slice %arg2[%add3A_105, %dma_wait3A_146, %dma_wait3A_147] : memref<3072x64x85xf32, #tpu.memory_space<hbm>> -> memref<3x64x85xf32, #tpu.memory_space<hbm>>
      tpu.wait_dma2 semaphore(%dma_wait3A_140 : memref<!tpu.dma_semaphore, #tpu.memory_space<semaphore_mem>>) src(%dma_wait3A_148 : memref<3x64x85xf32, #tpu.memory_space<hbm>>) dst(%dma_wait3A_145 : memref<3x64x85xf32, #tpu.memory_space<vmem>>)
      %jit3A_149 = arith.constant 4 : i32
      %eq3A_150 = arith.constant 0 : i32
      %eq3A_151 = arith.cmpi eq, %jit3A_149, %eq3A_150 : i32
      %jit3A_152 = arith.constant 1 : i32
      %select_n3A_153 = arith.select %eq3A_151, %jit3A_152, %jit3A_149 : i32
      %rem3A_154 = arith.remsi %scan3A_93, %select_n3A_153 : i32
      %ne3A_155 = arith.constant 0 : i32
      %ne3A_156 = arith.cmpi ne, %rem3A_154, %ne3A_155 : i32
      %lt3A_157 = arith.constant 0 : i32
      %lt3A_158 = arith.cmpi slt, %rem3A_154, %lt3A_157 : i32
      %lt3A_159 = arith.constant 0 : i32
      %lt3A_160 = arith.cmpi slt, %select_n3A_153, %lt3A_159 : i32
      %ne3A_161 = arith.xori %lt3A_158, %lt3A_160 : i1
      %and3A_162 = arith.andi %ne3A_161, %ne3A_156 : i1
      %add3A_163 = arith.addi %rem3A_154, %select_n3A_153 : i32
      %select_n3A_164 = arith.select %and3A_162, %add3A_163, %rem3A_154 : i32
      %scan3A_165 = arith.constant 0 : i32
      %scan3A_166 = arith.constant 12 : i32
      %scan3A_167 = arith.addi %scan3A_165, %scan3A_166 : i32
      %scan3A_168 = arith.constant 1 : i32
      %scan3A_169 = scf.for %scan3A_171 = %scan3A_165 to %scan3A_167 step %scan3A_168 iter_args(%scan3A_172 = %scan3A_94) -> (vector<16xf32>)  : i32 {
        %shift_right_arithmetic3A = arith.constant 2 : i32
        %shift_right_arithmetic3A_173 = arith.shrsi %scan3A_171, %shift_right_arithmetic3A : i32
        %and3A_174 = arith.constant 3 : i32
        %and3A_175 = arith.andi %scan3A_171, %and3A_174 : i32
        %add3A_176 = vector.broadcast %select_n3A_164 : i32 to vector<16xi32>
        %add3A_177 = arith.addi %broadcast_in_dim3A_5, %add3A_176 : vector<16xi32>
        %add3A_178 = vector.broadcast %shift_right_arithmetic3A_173 : i32 to vector<16xi32>
        %add3A_179 = arith.addi %broadcast_in_dim3A_5, %add3A_178 : vector<16xi32>
        %mul3A_180 = arith.constant 16 : i32
        %mul3A_181 = arith.muli %and3A_175, %mul3A_180 : i32
        %add3A_182 = vector.broadcast %mul3A_181 : i32 to vector<16xi32>
        %add3A_183 = arith.addi %iota3A, %add3A_182 : vector<16xi32>
        %add3A_184 = arith.constant 4 : i32
        %add3A_185 = vector.broadcast %add3A_184 : i32 to vector<16xi32>
        %add3A_186 = arith.addi %broadcast_in_dim3A_5, %add3A_185 : vector<16xi32>
        %gather3A = tpu.vector_load_idx %arg6[%add3A_177, %add3A_179, %add3A_183, %add3A_186] : memref<4x3x64x85xf32, #tpu.memory_space<vmem>>[vector<16xi32>, vector<16xi32>, vector<16xi32>, vector<16xi32>], vector<16xf32>,
        %mul3A_187 = arith.constant 192 : i32
        %mul3A_188 = arith.muli %scan3A_93, %mul3A_187 : i32
        %mul3A_189 = arith.constant 16 : i32
        %mul3A_190 = arith.muli %scan3A_171, %mul3A_189 : i32
        %add3A_191 = arith.addi %mul3A_188, %mul3A_190 : i32
        %get3A = arith.index_cast %add3A_191 : i32 to index
        %get3A_192 = tpu.vector_load %arg7[%get3A] {strides = array<i32>} : memref<3840xf32, #tpu.memory_space<vmem>>, vector<16xf32>,
        %max3A = arith.constant 1.17549435E-38 : f32
        %max3A_193 = vector.broadcast %max3A : f32 to vector<16xf32>
        %max3A_194 = arith.maximumf %gather3A, %max3A_193 : vector<16xf32>
        %bitcast_convert_type3A = tpu.bitcast %max3A_194 : vector<16xf32> -> vector<16xi32>
        %shift_right_arithmetic3A_195 = arith.constant 23 : i32
        %shift_right_arithmetic3A_196 = vector.broadcast %shift_right_arithmetic3A_195 : i32 to vector<16xi32>
        %shift_right_arithmetic3A_197 = arith.shrsi %bitcast_convert_type3A, %shift_right_arithmetic3A_196 : vector<16xi32>
        %and3A_198 = arith.constant 255 : i32
        %and3A_199 = vector.broadcast %and3A_198 : i32 to vector<16xi32>
        %and3A_200 = arith.andi %shift_right_arithmetic3A_197, %and3A_199 : vector<16xi32>
        %sub3A_201 = arith.constant 127 : i32
        %sub3A_202 = vector.broadcast %sub3A_201 : i32 to vector<16xi32>
        %sub3A_203 = arith.subi %and3A_200, %sub3A_202 : vector<16xi32>
        %and3A_204 = arith.constant 8388607 : i32
        %and3A_205 = vector.broadcast %and3A_204 : i32 to vector<16xi32>
        %and3A_206 = arith.andi %bitcast_convert_type3A, %and3A_205 : vector<16xi32>
        %or3A = arith.constant 1065353216 : i32
        %or3A_207 = vector.broadcast %or3A : i32 to vector<16xi32>
        %or3A_208 = arith.ori %and3A_206, %or3A_207 : vector<16xi32>
        %bitcast_convert_type3A_209 = tpu.bitcast %or3A_208 : vector<16xi32> -> vector<16xf32>
        %sub3A_210 = arith.constant 1.000000e+00 : f32
        %sub3A_211 = vector.broadcast %sub3A_210 : f32 to vector<16xf32>
        %sub3A_212 = arith.subf %bitcast_convert_type3A_209, %sub3A_211 : vector<16xf32>
        %broadcast_in_dim3A_213 = arith.constant -0.00911858677 : f32
        %broadcast_in_dim3A_214 = vector.broadcast %broadcast_in_dim3A_213 : f32 to vector<16xf32>
        %mul3A_215 = arith.mulf %broadcast_in_dim3A_214, %sub3A_212 : vector<16xf32>
        %add3A_216 = arith.constant 0.0511562675 : f32
        %add3A_217 = vector.broadcast %add3A_216 : f32 to vector<16xf32>
        %add3A_218 = arith.addf %mul3A_215, %add3A_217 : vector<16xf32>
        %mul3A_219 = arith.mulf %add3A_218, %sub3A_212 : vector<16xf32>
        %add3A_220 = arith.constant -0.135806516 : f32
        %add3A_221 = vector.broadcast %add3A_220 : f32 to vector<16xf32>
        %add3A_222 = arith.addf %mul3A_219, %add3A_221 : vector<16xf32>
        %mul3A_223 = arith.mulf %add3A_222, %sub3A_212 : vector<16xf32>
        %add3A_224 = arith.constant 0.240182832 : f32
        %add3A_225 = vector.broadcast %add3A_224 : f32 to vector<16xf32>
        %add3A_226 = arith.addf %mul3A_223, %add3A_225 : vector<16xf32>
        %mul3A_227 = arith.mulf %add3A_226, %sub3A_212 : vector<16xf32>
        %add3A_228 = arith.constant -0.346391827 : f32
        %add3A_229 = vector.broadcast %add3A_228 : f32 to vector<16xf32>
        %add3A_230 = arith.addf %mul3A_227, %add3A_229 : vector<16xf32>
        %mul3A_231 = arith.mulf %add3A_230, %sub3A_212 : vector<16xf32>
        %add3A_232 = arith.constant 0.478417724 : f32
        %add3A_233 = vector.broadcast %add3A_232 : f32 to vector<16xf32>
        %add3A_234 = arith.addf %mul3A_231, %add3A_233 : vector<16xf32>
        %mul3A_235 = arith.mulf %add3A_234, %sub3A_212 : vector<16xf32>
        %add3A_236 = arith.constant -0.721127927 : f32
        %add3A_237 = vector.broadcast %add3A_236 : f32 to vector<16xf32>
        %add3A_238 = arith.addf %mul3A_235, %add3A_237 : vector<16xf32>
        %mul3A_239 = arith.mulf %add3A_238, %sub3A_212 : vector<16xf32>
        %add3A_240 = arith.constant 1.44268799 : f32
        %add3A_241 = vector.broadcast %add3A_240 : f32 to vector<16xf32>
        %add3A_242 = arith.addf %mul3A_239, %add3A_241 : vector<16xf32>
        %convert_element_type3A_243 = arith.sitofp %sub3A_203 : vector<16xi32> to vector<16xf32>
        %mul3A_244 = arith.mulf %add3A_242, %sub3A_212 : vector<16xf32>
        %add3A_245 = arith.addf %convert_element_type3A_243, %mul3A_244 : vector<16xf32>
        %mul3A_246 = arith.constant 0.693147182 : f32
        %mul3A_247 = vector.broadcast %mul3A_246 : f32 to vector<16xf32>
        %mul3A_248 = arith.mulf %add3A_245, %mul3A_247 : vector<16xf32>
        %max3A_249 = arith.constant -1.000000e+02 : f32
        %max3A_250 = vector.broadcast %max3A_249 : f32 to vector<16xf32>
        %max3A_251 = arith.maximumf %mul3A_248, %max3A_250 : vector<16xf32>
        %sub3A_252 = arith.constant 1.000000e+00 : f32
        %sub3A_253 = vector.broadcast %sub3A_252 : f32 to vector<16xf32>
        %sub3A_254 = arith.subf %sub3A_253, %gather3A : vector<16xf32>
        %max3A_255 = arith.constant 1.17549435E-38 : f32
        %max3A_256 = vector.broadcast %max3A_255 : f32 to vector<16xf32>
        %max3A_257 = arith.maximumf %sub3A_254, %max3A_256 : vector<16xf32>
        %bitcast_convert_type3A_258 = tpu.bitcast %max3A_257 : vector<16xf32> -> vector<16xi32>
        %shift_right_arithmetic3A_259 = arith.constant 23 : i32
        %shift_right_arithmetic3A_260 = vector.broadcast %shift_right_arithmetic3A_259 : i32 to vector<16xi32>
        %shift_right_arithmetic3A_261 = arith.shrsi %bitcast_convert_type3A_258, %shift_right_arithmetic3A_260 : vector<16xi32>
        %and3A_262 = arith.constant 255 : i32
        %and3A_263 = vector.broadcast %and3A_262 : i32 to vector<16xi32>
        %and3A_264 = arith.andi %shift_right_arithmetic3A_261, %and3A_263 : vector<16xi32>
        %sub3A_265 = arith.constant 127 : i32
        %sub3A_266 = vector.broadcast %sub3A_265 : i32 to vector<16xi32>
        %sub3A_267 = arith.subi %and3A_264, %sub3A_266 : vector<16xi32>
        %and3A_268 = arith.constant 8388607 : i32
        %and3A_269 = vector.broadcast %and3A_268 : i32 to vector<16xi32>
        %and3A_270 = arith.andi %bitcast_convert_type3A_258, %and3A_269 : vector<16xi32>
        %or3A_271 = arith.constant 1065353216 : i32
        %or3A_272 = vector.broadcast %or3A_271 : i32 to vector<16xi32>
        %or3A_273 = arith.ori %and3A_270, %or3A_272 : vector<16xi32>
        %bitcast_convert_type3A_274 = tpu.bitcast %or3A_273 : vector<16xi32> -> vector<16xf32>
        %sub3A_275 = arith.constant 1.000000e+00 : f32
        %sub3A_276 = vector.broadcast %sub3A_275 : f32 to vector<16xf32>
        %sub3A_277 = arith.subf %bitcast_convert_type3A_274, %sub3A_276 : vector<16xf32>
        %broadcast_in_dim3A_278 = arith.constant -0.00911858677 : f32
        %broadcast_in_dim3A_279 = vector.broadcast %broadcast_in_dim3A_278 : f32 to vector<16xf32>
        %mul3A_280 = arith.mulf %broadcast_in_dim3A_279, %sub3A_277 : vector<16xf32>
        %add3A_281 = arith.constant 0.0511562675 : f32
        %add3A_282 = vector.broadcast %add3A_281 : f32 to vector<16xf32>
        %add3A_283 = arith.addf %mul3A_280, %add3A_282 : vector<16xf32>
        %mul3A_284 = arith.mulf %add3A_283, %sub3A_277 : vector<16xf32>
        %add3A_285 = arith.constant -0.135806516 : f32
        %add3A_286 = vector.broadcast %add3A_285 : f32 to vector<16xf32>
        %add3A_287 = arith.addf %mul3A_284, %add3A_286 : vector<16xf32>
        %mul3A_288 = arith.mulf %add3A_287, %sub3A_277 : vector<16xf32>
        %add3A_289 = arith.constant 0.240182832 : f32
        %add3A_290 = vector.broadcast %add3A_289 : f32 to vector<16xf32>
        %add3A_291 = arith.addf %mul3A_288, %add3A_290 : vector<16xf32>
        %mul3A_292 = arith.mulf %add3A_291, %sub3A_277 : vector<16xf32>
        %add3A_293 = arith.constant -0.346391827 : f32
        %add3A_294 = vector.broadcast %add3A_293 : f32 to vector<16xf32>
        %add3A_295 = arith.addf %mul3A_292, %add3A_294 : vector<16xf32>
        %mul3A_296 = arith.mulf %add3A_295, %sub3A_277 : vector<16xf32>
        %add3A_297 = arith.constant 0.478417724 : f32
        %add3A_298 = vector.broadcast %add3A_297 : f32 to vector<16xf32>
        %add3A_299 = arith.addf %mul3A_296, %add3A_298 : vector<16xf32>
        %mul3A_300 = arith.mulf %add3A_299, %sub3A_277 : vector<16xf32>
        %add3A_301 = arith.constant -0.721127927 : f32
        %add3A_302 = vector.broadcast %add3A_301 : f32 to vector<16xf32>
        %add3A_303 = arith.addf %mul3A_300, %add3A_302 : vector<16xf32>
        %mul3A_304 = arith.mulf %add3A_303, %sub3A_277 : vector<16xf32>
        %add3A_305 = arith.constant 1.44268799 : f32
        %add3A_306 = vector.broadcast %add3A_305 : f32 to vector<16xf32>
        %add3A_307 = arith.addf %mul3A_304, %add3A_306 : vector<16xf32>
        %convert_element_type3A_308 = arith.sitofp %sub3A_267 : vector<16xi32> to vector<16xf32>
        %mul3A_309 = arith.mulf %add3A_307, %sub3A_277 : vector<16xf32>
        %add3A_310 = arith.addf %convert_element_type3A_308, %mul3A_309 : vector<16xf32>
        %mul3A_311 = arith.constant 0.693147182 : f32
        %mul3A_312 = vector.broadcast %mul3A_311 : f32 to vector<16xf32>
        %mul3A_313 = arith.mulf %add3A_310, %mul3A_312 : vector<16xf32>
        %max3A_314 = arith.constant -1.000000e+02 : f32
        %max3A_315 = vector.broadcast %max3A_314 : f32 to vector<16xf32>
        %max3A_316 = arith.maximumf %mul3A_313, %max3A_315 : vector<16xf32>
        %add3A_317 = arith.addf %scan3A_172, %max3A_316 : vector<16xf32>
        %gt3A = arith.constant 5.000000e-01 : f32
        %gt3A_318 = vector.broadcast %gt3A : f32 to vector<16xf32>
        %gt3A_319 = arith.cmpf ogt, %get3A_192, %gt3A_318 : vector<16xf32>
        %sub3A_320 = arith.subf %max3A_251, %max3A_316 : vector<16xf32>
        %jit3A_321 = arith.constant 0.000000e+00 : f32
        %broadcast_in_dim3A_322 = vector.broadcast %jit3A_321 : f32 to vector<16xf32>
        %select_n3A_323 = arith.select %gt3A_319, %sub3A_320, %broadcast_in_dim3A_322 : vector<16xi1>, vector<16xf32>
        %add3A_324 = arith.addf %add3A_317, %select_n3A_323 : vector<16xf32>
        scf.yield %add3A_324 : vector<16xf32>
      }
      %scan3A_170 = arith.constant 12 : i32
      scf.yield %scan3A_169 : vector<16xf32>
    }
    %scan3A_89 = arith.constant 20 : i32
    %swap3A = arith.constant 0 : i32
    %swap3A_90 = arith.index_cast %swap3A : i32 to index
    %swap3A_91 = arith.constant 0 : index
    %swap3A_92 = tpu.vector_load %arg10[%swap3A_90, %swap3A_91] {strides = array<i32>} : memref<1x16xf32, #tpu.memory_space<vmem>>, vector<16xf32>,
    tpu.vector_store %arg10[%swap3A_90, %swap3A_91], %scan3A_88 {strides = array<i32>} : memref<1x16xf32, #tpu.memory_space<vmem>>, vector<16xf32>,
    "tpu.region"() ({
      %run_scoped3A = tpu.sem_alloc : memref<!tpu.dma_semaphore, #tpu.memory_space<semaphore_mem>>
      %dma_start3A_93 = arith.constant 0 : i32
      %dma_start3A_94 = arith.constant 0 : i32
      %dma_start3A_95 = tpu.memref_slice %arg5[%add3A, %dma_start3A_93, %dma_start3A_94] : memref<32x1x16xf32, #tpu.memory_space<hbm>> -> memref<1x1x16xf32, #tpu.memory_space<hbm>>
      %dma_start3A_96 = tpu.memref_squeeze %dma_start3A_95 : memref<1x1x16xf32, #tpu.memory_space<hbm>> -> memref<1x16xf32, #tpu.memory_space<hbm>>
      %dma_start3A_97 = arith.constant 0 : i32
      %dma_start3A_98 = arith.constant 0 : i32
      %dma_start3A_99 = tpu.memref_slice %arg5[%add3A, %dma_start3A_97, %dma_start3A_98] : memref<32x1x16xf32, #tpu.memory_space<hbm>> -> memref<1x1x16xf32, #tpu.memory_space<hbm>>
      %dma_start3A_100 = tpu.memref_squeeze %dma_start3A_99 : memref<1x1x16xf32, #tpu.memory_space<hbm>> -> memref<1x16xf32, #tpu.memory_space<hbm>>
      tpu.enqueue_dma source(%arg10 : memref<1x16xf32, #tpu.memory_space<vmem>>) target(%dma_start3A_100 : memref<1x16xf32, #tpu.memory_space<hbm>>) target_semaphore(%run_scoped3A : memref<!tpu.dma_semaphore, #tpu.memory_space<semaphore_mem>>)
      %dma_wait3A = arith.constant 0 : i32
      %dma_wait3A_101 = arith.constant 0 : i32
      %dma_wait3A_102 = tpu.memref_slice %arg5[%add3A, %dma_wait3A, %dma_wait3A_101] : memref<32x1x16xf32, #tpu.memory_space<hbm>> -> memref<1x1x16xf32, #tpu.memory_space<hbm>>
      %dma_wait3A_103 = tpu.memref_squeeze %dma_wait3A_102 : memref<1x1x16xf32, #tpu.memory_space<hbm>> -> memref<1x16xf32, #tpu.memory_space<hbm>>
      %dma_wait3A_104 = arith.constant 0 : i32
      %dma_wait3A_105 = arith.constant 0 : i32
      %dma_wait3A_106 = tpu.memref_slice %arg5[%add3A, %dma_wait3A_104, %dma_wait3A_105] : memref<32x1x16xf32, #tpu.memory_space<hbm>> -> memref<1x1x16xf32, #tpu.memory_space<hbm>>
      %dma_wait3A_107 = tpu.memref_squeeze %dma_wait3A_106 : memref<1x1x16xf32, #tpu.memory_space<hbm>> -> memref<1x16xf32, #tpu.memory_space<hbm>>
      tpu.wait_dma2 semaphore(%run_scoped3A : memref<!tpu.dma_semaphore, #tpu.memory_space<semaphore_mem>>) src(%arg10 : memref<1x16xf32, #tpu.memory_space<vmem>>) dst(%dma_wait3A_107 : memref<1x16xf32, #tpu.memory_space<hbm>>)
      tpu.yield
    }) : () -> ()
    return
  }
}

module attributes {stable_mosaic.version = 14 : i64} {
  func.func @_finish_body(%arg0: memref<32x1x16xf32, #tpu.memory_space<vmem>>, %arg1: memref<1x1xf32, #tpu.memory_space<smem>>, %arg2: memref<1x1xf32, #tpu.memory_space<smem>>) attributes {dimension_semantics = [], scalar_prefetch = 0 : i64, scratch_operands = 0 : i64, tpu.core_type = #tpu.core_type<tc>} {
    %get3A = arith.constant 0 : index
    %get3A_0 = arith.constant 0 : index
    %get3A_1 = arith.constant 0 : index
    %get3A_2 = vector.load %arg0[%get3A, %get3A_0, %get3A_1] : memref<32x1x16xf32, #tpu.memory_space<vmem>>, vector<32x1x16xf32>
    %reduce_sum3A = vector.shape_cast %get3A_2 : vector<32x1x16xf32> to vector<1x32x1x16xf32>
    %reduce_sum3A_3 = arith.constant dense<0.000000e+00> : vector<1xf32>
    %reduce_sum3A_4 = vector.multi_reduction <add>, %reduce_sum3A, %reduce_sum3A_3 [1, 2, 3] : vector<1x32x1x16xf32> to vector<1xf32>
    %reduce_sum3A_5 = vector.shape_cast %reduce_sum3A_4 : vector<1xf32> to vector<1x1x1x1xf32>
    %reduce_sum3A_6 = vector.extract %reduce_sum3A_5[0, 0, 0, 0] : f32 from vector<1x1x1x1xf32>
    %get3A_7 = arith.constant 0 : index
    %get3A_8 = arith.constant 0 : index
    %get3A_9 = memref.load %arg1[%get3A_7, %get3A_8] : memref<1x1xf32, #tpu.memory_space<smem>>
    %add3A = arith.addf %reduce_sum3A_6, %get3A_9 : f32
    %neg3A = arith.constant 0.000000e+00 : f32
    %neg3A_10 = arith.subf %neg3A, %add3A : f32
    %div3A = arith.constant 1.966080e+05 : f32
    %div3A_11 = arith.divf %neg3A_10, %div3A : f32
    %swap3A = arith.constant 0 : index
    %swap3A_12 = arith.constant 0 : index
    %swap3A_13 = memref.load %arg2[%swap3A, %swap3A_12] : memref<1x1xf32, #tpu.memory_space<smem>>
    memref.store %div3A_11, %arg2[%swap3A, %swap3A_12] : memref<1x1xf32, #tpu.memory_space<smem>>
    return
  }
}

module attributes {stable_mosaic.version = 14 : i64} {
  func.func @_tc_body(%arg0: i32, %arg1: memref<1x3x64x64x85xf32, #tpu.memory_space<vmem>>, %arg2: memref<3x2xf32, #tpu.memory_space<smem>>, %arg3: memref<1x50x5xf32, #tpu.memory_space<vmem>>, %arg4: memref<1x1xf32, #tpu.memory_space<smem>>, %arg5: memref<64x64xf32, #tpu.memory_space<vmem>>) attributes {dimension_semantics = [#tpu.dimension_semantics<arbitrary>], iteration_bounds = array<i64: 6>, scalar_prefetch = 0 : i64, scratch_operands = 1 : i64, tpu.core_type = #tpu.core_type<tc>, window_params = [{transform_indices = @transform_0, window_bounds = array<i64: 1, 3, 64, 64, 85>}, {transform_indices = @transform_1, window_bounds = array<i64: 3, 2>}, {transform_indices = @transform_2, window_bounds = array<i64: 1, 50, 5>}, {transform_indices = @transform_3, window_bounds = array<i64: 1, 1>}]} {
    %eq3A = arith.constant 0 : i32
    %eq3A_0 = arith.cmpi eq, %arg0, %eq3A : i32
    %convert_element_type3A = arith.extui %eq3A_0 : i1 to i32
    %cond3A = arith.constant 0 : i32
    %cond3A_1 = arith.cmpi ne, %convert_element_type3A, %cond3A : i32
    scf.if %cond3A_1 {
      %broadcast_in_dim3A_219 = arith.constant 0.000000e+00 : f32
      %broadcast_in_dim3A_220 = vector.broadcast %broadcast_in_dim3A_219 : f32 to vector<64x64xf32>
      %swap3A_221 = arith.constant 0 : index
      %swap3A_222 = arith.constant 0 : index
      %swap3A_223 = vector.load %arg5[%swap3A_221, %swap3A_222] : memref<64x64xf32, #tpu.memory_space<vmem>>, vector<64x64xf32>
      tpu.vector_store %arg5[%swap3A_221, %swap3A_222], %broadcast_in_dim3A_220 {strides = array<i32>} : memref<64x64xf32, #tpu.memory_space<vmem>>, vector<64x64xf32>,
    } else {
    }
    %get3A = arith.constant 0 : index
    %get3A_2 = arith.constant 0 : index
    %get3A_3 = arith.constant 0 : index
    %get3A_4 = vector.load %arg3[%get3A, %get3A_2, %get3A_3] : memref<1x50x5xf32, #tpu.memory_space<vmem>>, vector<1x50x5xf32>
    %get3A_5 = vector.shape_cast %get3A_4 : vector<1x50x5xf32> to vector<50x5xf32>
    %slice3A = vector.extract_strided_slice %get3A_5 {offsets = [0, 1], sizes = [50, 1], strides = [1, 1]} : vector<50x5xf32> to vector<50x1xf32>
    %slice3A_6 = vector.extract_strided_slice %get3A_5 {offsets = [0, 2], sizes = [50, 1], strides = [1, 1]} : vector<50x5xf32> to vector<50x1xf32>
    %slice3A_7 = vector.extract_strided_slice %get3A_5 {offsets = [0, 3], sizes = [50, 1], strides = [1, 1]} : vector<50x5xf32> to vector<50x1xf32>
    %mul3A = arith.constant 6.400000e+01 : f32
    %mul3A_8 = vector.broadcast %mul3A : f32 to vector<50x1xf32>
    %mul3A_9 = arith.mulf %slice3A_7, %mul3A_8 : vector<50x1xf32>
    %slice3A_10 = vector.extract_strided_slice %get3A_5 {offsets = [0, 4], sizes = [50, 1], strides = [1, 1]} : vector<50x5xf32> to vector<50x1xf32>
    %mul3A_11 = arith.constant 6.400000e+01 : f32
    %mul3A_12 = vector.broadcast %mul3A_11 : f32 to vector<50x1xf32>
    %mul3A_13 = arith.mulf %slice3A_10, %mul3A_12 : vector<50x1xf32>
    %mul3A_14 = arith.constant 6.400000e+01 : f32
    %mul3A_15 = vector.broadcast %mul3A_14 : f32 to vector<50x1xf32>
    %mul3A_16 = arith.mulf %slice3A, %mul3A_15 : vector<50x1xf32>
    %convert_element_type3A_17 = arith.fptosi %mul3A_16 : vector<50x1xf32> to vector<50x1xi32>
    %jit3A = arith.constant 0 : i32
    %jit3A_18 = arith.constant 63 : i32
    %max3A = vector.broadcast %jit3A : i32 to vector<50x1xi32>
    %max3A_19 = arith.maxsi %max3A, %convert_element_type3A_17 : vector<50x1xi32>
    %min3A = vector.broadcast %jit3A_18 : i32 to vector<50x1xi32>
    %min3A_20 = arith.minsi %min3A, %max3A_19 : vector<50x1xi32>
    %mul3A_21 = arith.constant 6.400000e+01 : f32
    %mul3A_22 = vector.broadcast %mul3A_21 : f32 to vector<50x1xf32>
    %mul3A_23 = arith.mulf %slice3A_6, %mul3A_22 : vector<50x1xf32>
    %convert_element_type3A_24 = arith.fptosi %mul3A_23 : vector<50x1xf32> to vector<50x1xi32>
    %jit3A_25 = arith.constant 0 : i32
    %jit3A_26 = arith.constant 63 : i32
    %max3A_27 = vector.broadcast %jit3A_25 : i32 to vector<50x1xi32>
    %max3A_28 = arith.maxsi %max3A_27, %convert_element_type3A_24 : vector<50x1xi32>
    %min3A_29 = vector.broadcast %jit3A_26 : i32 to vector<50x1xi32>
    %min3A_30 = arith.minsi %min3A_29, %max3A_28 : vector<50x1xi32>
    %mul3A_31 = arith.mulf %mul3A_9, %mul3A_13 : vector<50x1xf32>
    %get3A_32 = arith.constant 0 : index
    %get3A_33 = arith.constant 0 : index
    %get3A_34 = memref.load %arg2[%get3A_32, %get3A_33] : memref<3x2xf32, #tpu.memory_space<smem>>
    %get3A_35 = arith.constant 0 : index
    %get3A_36 = arith.constant 1 : index
    %get3A_37 = memref.load %arg2[%get3A_35, %get3A_36] : memref<3x2xf32, #tpu.memory_space<smem>>
    %min3A_38 = vector.broadcast %get3A_34 : f32 to vector<50x1xf32>
    %min3A_39 = arith.minimumf %min3A_38, %mul3A_9 : vector<50x1xf32>
    %min3A_40 = vector.broadcast %get3A_37 : f32 to vector<50x1xf32>
    %min3A_41 = arith.minimumf %min3A_40, %mul3A_13 : vector<50x1xf32>
    %mul3A_42 = arith.mulf %min3A_39, %min3A_41 : vector<50x1xf32>
    %mul3A_43 = arith.mulf %get3A_34, %get3A_37 : f32
    %add3A = vector.broadcast %mul3A_43 : f32 to vector<50x1xf32>
    %add3A_44 = arith.addf %add3A, %mul3A_31 : vector<50x1xf32>
    %sub3A = arith.subf %add3A_44, %mul3A_42 : vector<50x1xf32>
    %div3A = arith.divf %mul3A_42, %sub3A : vector<50x1xf32>
    %get3A_45 = arith.constant 1 : index
    %get3A_46 = arith.constant 0 : index
    %get3A_47 = memref.load %arg2[%get3A_45, %get3A_46] : memref<3x2xf32, #tpu.memory_space<smem>>
    %get3A_48 = arith.constant 1 : index
    %get3A_49 = arith.constant 1 : index
    %get3A_50 = memref.load %arg2[%get3A_48, %get3A_49] : memref<3x2xf32, #tpu.memory_space<smem>>
    %min3A_51 = vector.broadcast %get3A_47 : f32 to vector<50x1xf32>
    %min3A_52 = arith.minimumf %min3A_51, %mul3A_9 : vector<50x1xf32>
    %min3A_53 = vector.broadcast %get3A_50 : f32 to vector<50x1xf32>
    %min3A_54 = arith.minimumf %min3A_53, %mul3A_13 : vector<50x1xf32>
    %mul3A_55 = arith.mulf %min3A_52, %min3A_54 : vector<50x1xf32>
    %mul3A_56 = arith.mulf %get3A_47, %get3A_50 : f32
    %add3A_57 = vector.broadcast %mul3A_56 : f32 to vector<50x1xf32>
    %add3A_58 = arith.addf %add3A_57, %mul3A_31 : vector<50x1xf32>
    %sub3A_59 = arith.subf %add3A_58, %mul3A_55 : vector<50x1xf32>
    %div3A_60 = arith.divf %mul3A_55, %sub3A_59 : vector<50x1xf32>
    %get3A_61 = arith.constant 2 : index
    %get3A_62 = arith.constant 0 : index
    %get3A_63 = memref.load %arg2[%get3A_61, %get3A_62] : memref<3x2xf32, #tpu.memory_space<smem>>
    %get3A_64 = arith.constant 2 : index
    %get3A_65 = arith.constant 1 : index
    %get3A_66 = memref.load %arg2[%get3A_64, %get3A_65] : memref<3x2xf32, #tpu.memory_space<smem>>
    %min3A_67 = vector.broadcast %get3A_63 : f32 to vector<50x1xf32>
    %min3A_68 = arith.minimumf %min3A_67, %mul3A_9 : vector<50x1xf32>
    %min3A_69 = vector.broadcast %get3A_66 : f32 to vector<50x1xf32>
    %min3A_70 = arith.minimumf %min3A_69, %mul3A_13 : vector<50x1xf32>
    %mul3A_71 = arith.mulf %min3A_68, %min3A_70 : vector<50x1xf32>
    %mul3A_72 = arith.mulf %get3A_63, %get3A_66 : f32
    %add3A_73 = vector.broadcast %mul3A_72 : f32 to vector<50x1xf32>
    %add3A_74 = arith.addf %add3A_73, %mul3A_31 : vector<50x1xf32>
    %sub3A_75 = arith.subf %add3A_74, %mul3A_71 : vector<50x1xf32>
    %div3A_76 = arith.divf %mul3A_71, %sub3A_75 : vector<50x1xf32>
    %ge3A = arith.cmpf oge, %div3A, %div3A_60 : vector<50x1xf32>
    %ge3A_77 = arith.cmpf oge, %div3A, %div3A_76 : vector<50x1xf32>
    %and3A = arith.andi %ge3A, %ge3A_77 : vector<50x1xi1>
    %gt3A = arith.cmpf ogt, %div3A_60, %div3A : vector<50x1xf32>
    %ge3A_78 = arith.cmpf oge, %div3A_60, %div3A_76 : vector<50x1xf32>
    %and3A_79 = arith.andi %gt3A, %ge3A_78 : vector<50x1xi1>
    %gt3A_80 = arith.cmpf ogt, %div3A_76, %div3A : vector<50x1xf32>
    %gt3A_81 = arith.cmpf ogt, %div3A_76, %div3A_60 : vector<50x1xf32>
    %and3A_82 = arith.andi %gt3A_80, %gt3A_81 : vector<50x1xi1>
    %max3A_83 = arith.maximumf %div3A, %div3A_60 : vector<50x1xf32>
    %max3A_84 = arith.maximumf %max3A_83, %div3A_76 : vector<50x1xf32>
    %gt3A_85 = arith.constant 9.99999974E-5 : f32
    %gt3A_86 = vector.broadcast %gt3A_85 : f32 to vector<50x1xf32>
    %gt3A_87 = arith.cmpf ogt, %max3A_84, %gt3A_86 : vector<50x1xf32>
    %and3A_88 = arith.andi %gt3A_87, %and3A : vector<50x1xi1>
    %convert_element_type3A_89 = arith.extui %and3A_88 : vector<50x1xi1> to vector<50x1xi32>
    %convert_element_type3A_90 = arith.sitofp %convert_element_type3A_89 : vector<50x1xi32> to vector<50x1xf32>
    %and3A_91 = arith.andi %gt3A_87, %and3A_79 : vector<50x1xi1>
    %convert_element_type3A_92 = arith.extui %and3A_91 : vector<50x1xi1> to vector<50x1xi32>
    %convert_element_type3A_93 = arith.sitofp %convert_element_type3A_92 : vector<50x1xi32> to vector<50x1xf32>
    %and3A_94 = arith.andi %gt3A_87, %and3A_82 : vector<50x1xi1>
    %convert_element_type3A_95 = arith.extui %and3A_94 : vector<50x1xi1> to vector<50x1xi32>
    %convert_element_type3A_96 = arith.sitofp %convert_element_type3A_95 : vector<50x1xi32> to vector<50x1xf32>
    %iota3A = tpu.iota {dimensions = array<i32: 1>} : vector<50x64xi32>
    %iota3A_97 = tpu.iota {dimensions = array<i32: 1>} : vector<50x64xi32>
    %eq3A_98 = vector.broadcast %min3A_20 : vector<50x1xi32> to vector<50x64xi32>
    %eq3A_99 = arith.cmpi eq, %iota3A_97, %eq3A_98 : vector<50x64xi32>
    %jit3A_100 = arith.constant 1.000000e+00 : f32
    %jit3A_101 = arith.constant 0.000000e+00 : f32
    %broadcast_in_dim3A = vector.broadcast %jit3A_100 : f32 to vector<50x64xf32>
    %broadcast_in_dim3A_102 = vector.broadcast %jit3A_101 : f32 to vector<50x64xf32>
    %select_n3A = arith.select %eq3A_99, %broadcast_in_dim3A, %broadcast_in_dim3A_102 : vector<50x64xi1>, vector<50x64xf32>
    %get3A_103 = arith.constant 0 : index
    %get3A_104 = arith.constant 0 : index
    %get3A_105 = vector.load %arg5[%get3A_103, %get3A_104] : memref<64x64xf32, #tpu.memory_space<vmem>>, vector<64x64xf32>
    %eq3A_106 = vector.broadcast %min3A_30 : vector<50x1xi32> to vector<50x64xi32>
    %eq3A_107 = arith.cmpi eq, %iota3A, %eq3A_106 : vector<50x64xi32>
    %jit3A_108 = arith.constant 0.000000e+00 : f32
    %broadcast_in_dim3A_109 = vector.shape_cast %convert_element_type3A_90 : vector<50x1xf32> to vector<50x1xf32>
    %broadcast_in_dim3A_110 = vector.broadcast %broadcast_in_dim3A_109 : vector<50x1xf32> to vector<50x64xf32>
    %broadcast_in_dim3A_111 = vector.broadcast %jit3A_108 : f32 to vector<50x64xf32>
    %select_n3A_112 = arith.select %eq3A_107, %broadcast_in_dim3A_110, %broadcast_in_dim3A_111 : vector<50x64xi1>, vector<50x64xf32>
    %dot_general3A = arith.constant dense<0.000000e+00> : vector<64x64xf32>
    %dot_general3A_113 = tpu.matmul %select_n3A_112, %select_n3A, %dot_general3A {dimension_numbers = #tpu.dot_dimension_numbers<[0], [0], [1], [1], [0, 1, 1, 1], [], []>, precision = #tpu.contract_precision<fp32>, transpose_lhs_hint = false} : vector<50x64xf32>, vector<50x64xf32>, vector<64x64xf32> -> vector<64x64xf32>
    %gt3A_114 = arith.constant 5.000000e-01 : f32
    %gt3A_115 = vector.broadcast %gt3A_114 : f32 to vector<64x64xf32>
    %gt3A_116 = arith.cmpf ogt, %dot_general3A_113, %gt3A_115 : vector<64x64xf32>
    %convert_element_type3A_117 = arith.extui %gt3A_116 : vector<64x64xi1> to vector<64x64xi32>
    %convert_element_type3A_118 = arith.sitofp %convert_element_type3A_117 : vector<64x64xi32> to vector<64x64xf32>
    %get3A_119 = arith.constant 0 : index
    %get3A_120 = arith.constant 0 : index
    %get3A_121 = arith.constant 0 : index
    %get3A_122 = arith.constant 0 : index
    %get3A_123 = arith.constant 4 : index
    %get3A_124 = vector.load %arg1[%get3A_119, %get3A_120, %get3A_121, %get3A_122, %get3A_123] : memref<1x3x64x64x85xf32, #tpu.memory_space<vmem>>, vector<1x1x64x64x1xf32>
    %get3A_125 = vector.shape_cast %get3A_124 : vector<1x1x64x64x1xf32> to vector<64x64xf32>
    %log3A = math.log %get3A_125 : vector<64x64xf32>
    %max3A_126 = arith.constant -1.000000e+02 : f32
    %max3A_127 = vector.broadcast %max3A_126 : f32 to vector<64x64xf32>
    %max3A_128 = arith.maximumf %log3A, %max3A_127 : vector<64x64xf32>
    %sub3A_129 = arith.constant 1.000000e+00 : f32
    %sub3A_130 = vector.broadcast %sub3A_129 : f32 to vector<64x64xf32>
    %sub3A_131 = arith.subf %sub3A_130, %get3A_125 : vector<64x64xf32>
    %log3A_132 = math.log %sub3A_131 : vector<64x64xf32>
    %max3A_133 = arith.constant -1.000000e+02 : f32
    %max3A_134 = vector.broadcast %max3A_133 : f32 to vector<64x64xf32>
    %max3A_135 = arith.maximumf %log3A_132, %max3A_134 : vector<64x64xf32>
    %sub3A_136 = arith.subf %max3A_128, %max3A_135 : vector<64x64xf32>
    %mul3A_137 = arith.mulf %convert_element_type3A_118, %sub3A_136 : vector<64x64xf32>
    %add3A_138 = arith.addf %max3A_135, %mul3A_137 : vector<64x64xf32>
    %add3A_139 = arith.addf %get3A_105, %add3A_138 : vector<64x64xf32>
    %eq3A_140 = vector.broadcast %min3A_30 : vector<50x1xi32> to vector<50x64xi32>
    %eq3A_141 = arith.cmpi eq, %iota3A, %eq3A_140 : vector<50x64xi32>
    %jit3A_142 = arith.constant 0.000000e+00 : f32
    %broadcast_in_dim3A_143 = vector.shape_cast %convert_element_type3A_93 : vector<50x1xf32> to vector<50x1xf32>
    %broadcast_in_dim3A_144 = vector.broadcast %broadcast_in_dim3A_143 : vector<50x1xf32> to vector<50x64xf32>
    %broadcast_in_dim3A_145 = vector.broadcast %jit3A_142 : f32 to vector<50x64xf32>
    %select_n3A_146 = arith.select %eq3A_141, %broadcast_in_dim3A_144, %broadcast_in_dim3A_145 : vector<50x64xi1>, vector<50x64xf32>
    %dot_general3A_147 = arith.constant dense<0.000000e+00> : vector<64x64xf32>
    %dot_general3A_148 = tpu.matmul %select_n3A_146, %select_n3A, %dot_general3A_147 {dimension_numbers = #tpu.dot_dimension_numbers<[0], [0], [1], [1], [0, 1, 1, 1], [], []>, precision = #tpu.contract_precision<fp32>, transpose_lhs_hint = false} : vector<50x64xf32>, vector<50x64xf32>, vector<64x64xf32> -> vector<64x64xf32>
    %gt3A_149 = arith.constant 5.000000e-01 : f32
    %gt3A_150 = vector.broadcast %gt3A_149 : f32 to vector<64x64xf32>
    %gt3A_151 = arith.cmpf ogt, %dot_general3A_148, %gt3A_150 : vector<64x64xf32>
    %convert_element_type3A_152 = arith.extui %gt3A_151 : vector<64x64xi1> to vector<64x64xi32>
    %convert_element_type3A_153 = arith.sitofp %convert_element_type3A_152 : vector<64x64xi32> to vector<64x64xf32>
    %get3A_154 = arith.constant 0 : index
    %get3A_155 = arith.constant 1 : index
    %get3A_156 = arith.constant 0 : index
    %get3A_157 = arith.constant 0 : index
    %get3A_158 = arith.constant 4 : index
    %get3A_159 = vector.load %arg1[%get3A_154, %get3A_155, %get3A_156, %get3A_157, %get3A_158] : memref<1x3x64x64x85xf32, #tpu.memory_space<vmem>>, vector<1x1x64x64x1xf32>
    %get3A_160 = vector.shape_cast %get3A_159 : vector<1x1x64x64x1xf32> to vector<64x64xf32>
    %log3A_161 = math.log %get3A_160 : vector<64x64xf32>
    %max3A_162 = arith.constant -1.000000e+02 : f32
    %max3A_163 = vector.broadcast %max3A_162 : f32 to vector<64x64xf32>
    %max3A_164 = arith.maximumf %log3A_161, %max3A_163 : vector<64x64xf32>
    %sub3A_165 = arith.constant 1.000000e+00 : f32
    %sub3A_166 = vector.broadcast %sub3A_165 : f32 to vector<64x64xf32>
    %sub3A_167 = arith.subf %sub3A_166, %get3A_160 : vector<64x64xf32>
    %log3A_168 = math.log %sub3A_167 : vector<64x64xf32>
    %max3A_169 = arith.constant -1.000000e+02 : f32
    %max3A_170 = vector.broadcast %max3A_169 : f32 to vector<64x64xf32>
    %max3A_171 = arith.maximumf %log3A_168, %max3A_170 : vector<64x64xf32>
    %sub3A_172 = arith.subf %max3A_164, %max3A_171 : vector<64x64xf32>
    %mul3A_173 = arith.mulf %convert_element_type3A_153, %sub3A_172 : vector<64x64xf32>
    %add3A_174 = arith.addf %max3A_171, %mul3A_173 : vector<64x64xf32>
    %add3A_175 = arith.addf %add3A_139, %add3A_174 : vector<64x64xf32>
    %eq3A_176 = vector.broadcast %min3A_30 : vector<50x1xi32> to vector<50x64xi32>
    %eq3A_177 = arith.cmpi eq, %iota3A, %eq3A_176 : vector<50x64xi32>
    %jit3A_178 = arith.constant 0.000000e+00 : f32
    %broadcast_in_dim3A_179 = vector.shape_cast %convert_element_type3A_96 : vector<50x1xf32> to vector<50x1xf32>
    %broadcast_in_dim3A_180 = vector.broadcast %broadcast_in_dim3A_179 : vector<50x1xf32> to vector<50x64xf32>
    %broadcast_in_dim3A_181 = vector.broadcast %jit3A_178 : f32 to vector<50x64xf32>
    %select_n3A_182 = arith.select %eq3A_177, %broadcast_in_dim3A_180, %broadcast_in_dim3A_181 : vector<50x64xi1>, vector<50x64xf32>
    %dot_general3A_183 = arith.constant dense<0.000000e+00> : vector<64x64xf32>
    %dot_general3A_184 = tpu.matmul %select_n3A_182, %select_n3A, %dot_general3A_183 {dimension_numbers = #tpu.dot_dimension_numbers<[0], [0], [1], [1], [0, 1, 1, 1], [], []>, precision = #tpu.contract_precision<fp32>, transpose_lhs_hint = false} : vector<50x64xf32>, vector<50x64xf32>, vector<64x64xf32> -> vector<64x64xf32>
    %gt3A_185 = arith.constant 5.000000e-01 : f32
    %gt3A_186 = vector.broadcast %gt3A_185 : f32 to vector<64x64xf32>
    %gt3A_187 = arith.cmpf ogt, %dot_general3A_184, %gt3A_186 : vector<64x64xf32>
    %convert_element_type3A_188 = arith.extui %gt3A_187 : vector<64x64xi1> to vector<64x64xi32>
    %convert_element_type3A_189 = arith.sitofp %convert_element_type3A_188 : vector<64x64xi32> to vector<64x64xf32>
    %get3A_190 = arith.constant 0 : index
    %get3A_191 = arith.constant 2 : index
    %get3A_192 = arith.constant 0 : index
    %get3A_193 = arith.constant 0 : index
    %get3A_194 = arith.constant 4 : index
    %get3A_195 = vector.load %arg1[%get3A_190, %get3A_191, %get3A_192, %get3A_193, %get3A_194] : memref<1x3x64x64x85xf32, #tpu.memory_space<vmem>>, vector<1x1x64x64x1xf32>
    %get3A_196 = vector.shape_cast %get3A_195 : vector<1x1x64x64x1xf32> to vector<64x64xf32>
    %log3A_197 = math.log %get3A_196 : vector<64x64xf32>
    %max3A_198 = arith.constant -1.000000e+02 : f32
    %max3A_199 = vector.broadcast %max3A_198 : f32 to vector<64x64xf32>
    %max3A_200 = arith.maximumf %log3A_197, %max3A_199 : vector<64x64xf32>
    %sub3A_201 = arith.constant 1.000000e+00 : f32
    %sub3A_202 = vector.broadcast %sub3A_201 : f32 to vector<64x64xf32>
    %sub3A_203 = arith.subf %sub3A_202, %get3A_196 : vector<64x64xf32>
    %log3A_204 = math.log %sub3A_203 : vector<64x64xf32>
    %max3A_205 = arith.constant -1.000000e+02 : f32
    %max3A_206 = vector.broadcast %max3A_205 : f32 to vector<64x64xf32>
    %max3A_207 = arith.maximumf %log3A_204, %max3A_206 : vector<64x64xf32>
    %sub3A_208 = arith.subf %max3A_200, %max3A_207 : vector<64x64xf32>
    %mul3A_209 = arith.mulf %convert_element_type3A_189, %sub3A_208 : vector<64x64xf32>
    %add3A_210 = arith.addf %max3A_207, %mul3A_209 : vector<64x64xf32>
    %add3A_211 = arith.addf %add3A_175, %add3A_210 : vector<64x64xf32>
    %swap3A = arith.constant 0 : index
    %swap3A_212 = arith.constant 0 : index
    %swap3A_213 = vector.load %arg5[%swap3A, %swap3A_212] : memref<64x64xf32, #tpu.memory_space<vmem>>, vector<64x64xf32>
    tpu.vector_store %arg5[%swap3A, %swap3A_212], %add3A_211 {strides = array<i32>} : memref<64x64xf32, #tpu.memory_space<vmem>>, vector<64x64xf32>,
    %eq3A_214 = arith.constant 5 : i32
    %eq3A_215 = arith.cmpi eq, %arg0, %eq3A_214 : i32
    %convert_element_type3A_216 = arith.extui %eq3A_215 : i1 to i32
    %cond3A_217 = arith.constant 0 : i32
    %cond3A_218 = arith.cmpi ne, %convert_element_type3A_216, %cond3A_217 : i32
    scf.if %cond3A_218 {
      %get3A_219 = arith.constant 0 : index
      %get3A_220 = arith.constant 0 : index
      %get3A_221 = vector.load %arg5[%get3A_219, %get3A_220] : memref<64x64xf32, #tpu.memory_space<vmem>>, vector<64x64xf32>
      %reduce_sum3A = vector.shape_cast %get3A_221 : vector<64x64xf32> to vector<1x64x64xf32>
      %reduce_sum3A_222 = arith.constant dense<0.000000e+00> : vector<1xf32>
      %reduce_sum3A_223 = vector.multi_reduction <add>, %reduce_sum3A, %reduce_sum3A_222 [1, 2] : vector<1x64x64xf32> to vector<1xf32>
      %reduce_sum3A_224 = vector.shape_cast %reduce_sum3A_223 : vector<1xf32> to vector<1x1x1xf32>
      %reduce_sum3A_225 = vector.extract %reduce_sum3A_224[0, 0, 0] : f32 from vector<1x1x1xf32>
      %swap3A_226 = arith.constant 0 : index
      %swap3A_227 = arith.constant 0 : index
      %swap3A_228 = memref.load %arg4[%swap3A_226, %swap3A_227] : memref<1x1xf32, #tpu.memory_space<smem>>
      memref.store %reduce_sum3A_225, %arg4[%swap3A_226, %swap3A_227] : memref<1x1xf32, #tpu.memory_space<smem>>
    } else {
    }
    return
  }
  func.func @transform_0(%arg0: i32) -> (i32, i32, i32, i32, i32) {
    %add3A = arith.constant 10 : i32
    %add3A_0 = arith.addi %arg0, %add3A : i32
    %c0_i32 = arith.constant 0 : i32
    %c0_i32_1 = arith.constant 0 : i32
    %c0_i32_2 = arith.constant 0 : i32
    %c0_i32_3 = arith.constant 0 : i32
    %c0_i32_4 = arith.constant 0 : i32
    return %add3A_0, %c0_i32, %c0_i32_1, %c0_i32_2, %c0_i32_3 : i32, i32, i32, i32, i32
  }
  func.func @transform_1(%arg0: i32) -> (i32, i32) {
    %c0_i32 = arith.constant 0 : i32
    %c0_i32_0 = arith.constant 0 : i32
    %c0_i32_1 = arith.constant 0 : i32
    return %c0_i32, %c0_i32_0 : i32, i32
  }
  func.func @transform_2(%arg0: i32) -> (i32, i32, i32) {
    %add3A = arith.constant 10 : i32
    %add3A_0 = arith.addi %arg0, %add3A : i32
    %c0_i32 = arith.constant 0 : i32
    %c0_i32_1 = arith.constant 0 : i32
    %c0_i32_2 = arith.constant 0 : i32
    return %add3A_0, %c0_i32, %c0_i32_1 : i32, i32, i32
  }
  func.func @transform_3(%arg0: i32) -> (i32, i32) {
    %c0_i32 = arith.constant 0 : i32
    %c0_i32_0 = arith.constant 0 : i32
    %c0_i32_1 = arith.constant 0 : i32
    return %c0_i32, %c0_i32_0 : i32, i32
  }
}

</mosaic_0001>

<sc_bundles>
// kernel: kernel.5.cloned.1.call-start
scs
__scs_entry_jumppad:
0x0: {  	(pc) =	sbr.rel $0x88, $3  }
0x1: {  	(tag) =	ssettag $0x0;
	lr =	simm.s32 $0x1  }
0x2: {  	[smem:$0x3F9E] =	sst lr;
	_ =	strace $0xD0000000  }
0x3: {  	_ = 	snop  }
0x4: {  	_ = 	snop  }
0x5: {  	_ = 	snop  }
0x6: {  	_ = 	snop  }
0x7: {  	_ = 	snop  }
__scs_overlays_trampoline_lowered:
0x8: {  	[smem:$0x3FAD] =	sst s0  }
0x9: {  	[smem:$0x3FAE] =	sst s1  }
0xa: {  	[smem:$0x3FAF] =	sst s2  }
0xb: {  	[smem:$0x3FB0] =	sst s3  }
0xc: {  	[smem:$0x3FB1] =	sst s4  }
0xd: {  	[smem:$0x3FB2] =	sst s5  }
0xe: {  	[smem:$0x3FB3] =	sst s6  }
0xf: {  	[smem:$0x3FB4] =	sst s7  }
0x10: {  	[smem:$0x3FB5] =	sst s8  }
0x11: {  	[smem:$0x3FB6] =	sst s9;
	s0 =	simm.s32 @!p0 $0x0  }
0x12: {  	s1 =	sld [smem:$0x3F9C];
	s0 =	simm.s32 @p0 $0x1  }
0x13: {  	[smem:$0x3FB7] =	sst s0;
	s0 =	simm.s32 @!p1 $0x0  }
0x14: {  	s2 =	sld [smem:$0x3F9B];
	s0 =	simm.s32 @p1 $0x1  }
0x15: {  	[smem:$0x3FB8] =	sst s0;
	s0 =	simm.s32 @!p2 $0x0  }
0x16: {  	s3 =	sld [smem:$0x3FDB];
	s0 =	simm.s32 @p2 $0x1  }
0x17: {  	s4 =	simm.s32 $0x1BF5;
	[smem:$0x3FBA] =	sst s0  }
0x18: {  	s0 =	sld [smem:$0x3F9D];
	_ =	swait.ge [sflag:s4], $0x0  }
0x19: {  	s7 =	sld [smem:$0x3F9E]  }
0x1a: {  	s8 =	sadd.s32 $0xFFFFE003, lr  }
0x1b: {  	s9 =	sadd.s32 $0xFFFFFEF7, lr;
	s5 =	simm.s32 $0xFFFFFFFF;
	p2 =	slt.u32 s8, $0xFFFFF086  }
0x1c: {  	p1 =	slt.u32 s9, $0xF7A;
	s5 =	simm.s32 @!p2 $0x0  }
0x1d: {  	s5 =	simm.s32 @p1 $0x1;
	p0 =	seq.s32 s7, s2  }
0x1e: {  	s7 =	smul.u32 @!p0 $0xF7A, s2;
	p2 =	seq.s32 @!p0 s5, $0x0  }
0x1f: {  	s9 =	smul.u32 $0xF7A, s1;
	s8 =	simm.s32 @!p0 $0x1BF5;
	p2 =	por !p2, p0  }
0x20: {  	[sflag:s8] =	ssyncset.s32 @!p0 $0xFFFFF086;
	s6 =	sadd.s32 @!p0 s3, s7;
	s7 =	simm.s32 @!p0 $0x108  }
0x21: {  	s3 =	sadd.s32 s3, s9;
	s6 =	sadd.s32 @!p0 $0x88, s6;
	s7 =	simm.s32 @p2 $0x1082  }
0x22: {  	[simem:s7], [sflag:s8] =	dma.local @!p0 [hbm:s6], $0xF7A  }
0x23: {  	s9 =	sor.u32 $0xD0000000, s2;
	s6 =	simm.s32 $0x108;
	_ =	swait.ge @!p0 [sflag:s8], $0x0  }
0x24: {  	s3 =	sadd.s32 $0x88, s3;
	s6 =	simm.s32 @!p1 $0x1082;
	[sflag:s4] =	ssyncset.s32 $0xFFFFF086  }
0x25: {  	[simem:s6], [sflag:s4] =	dma.local [hbm:s3], $0xF7A  }
0x26: {  	[smem:$0x3F9E] =	sst s1;
	(tag) =	ssettag s2;
	_ =	strace s9  }
0x27: {  	s1 =	sld [smem:$0x3FAE]  }
0x28: {  	s2 =	sld [smem:$0x3FAF]  }
0x29: {  	s4 =	sld [smem:$0x3FB1]  }
0x2a: {  	p0 =	seq.s32 s5, $0x0;
	s5 =	sld [smem:$0x3FB2]  }
0x2b: {  	s6 =	sld [smem:$0x3FB3]  }
0x2c: {  	s7 =	sld [smem:$0x3FB4]  }
0x2d: {  	s3 =	simm.s32 $0x108;
	s8 =	sld [smem:$0x3FB5]  }
0x2e: {  	s3 =	simm.s32 @!p0 $0x1082;
	s9 =	sld [smem:$0x3FB6]  }
0x2f: {  	lr =	sadd.s32 s0, s3;
	s0 =	sld [smem:$0x3FAD]  }
0x30: {  	s3 =	sld [smem:$0x3FB0]  }
0x31: {  	[smem:$0x3FB9] =	sst s10  }
0x32: {  	s10 =	sld [smem:$0x3FB7];
	_ =	sdelay $0x3  }
0x33: {  	p0 =	seq.s32 s10, $0x1;
	s10 =	sld [smem:$0x3FB9];
	_ =	sdelay $0x3  }
0x34: {  	[smem:$0x3FB9] =	sst s10  }
0x35: {  	s10 =	sld [smem:$0x3FB8];
	_ =	sdelay $0x3  }
0x36: {  	p1 =	seq.s32 s10, $0x1;
	s10 =	sld [smem:$0x3FB9];
	_ =	sdelay $0x3  }
0x37: {  	[smem:$0x3FB9] =	sst s10  }
0x38: {  	s10 =	sld [smem:$0x3FBA]  }
0x39: {  	_ = 	snop;
	(pc) =	sbr.ind lr, $3  }
0x3a: {  	_ = 	snop  }
0x3b: {  	_ = 	snop  }
0x3c: {  	p2 =	seq.s32 s10, $0x1;
	s10 =	sld [smem:$0x3FB9]  }
0x3d: {  	_ =	shalt  }
0x3e: {  	_ =	shalt  }
0x3f: {  	_ =	shalt  }
0x40: {  	_ =	shalt  }
0x41: {  	_ =	shalt  }
0x42: {  	_ =	shalt  }
0x43: {  	_ =	shalt  }
0x44: {  	_ =	shalt  }
0x45: {  	_ =	shalt  }
0x46: {  	_ =	shalt  }
0x47: {  	_ =	shalt  }
0x48: {  	_ =	shalt  }
0x49: {  	_ =	shalt  }
0x4a: {  	_ =	shalt  }
0x4b: {  	_ =	shalt  }
0x4c: {  	_ =	shalt  }
0x4d: {  	_ =	shalt  }
0x4e: {  	_ =	shalt  }
0x4f: {  	_ =	shalt  }
0x50: {  	_ =	shalt  }
0x51: {  	_ =	shalt  }
0x52: {  	_ =	shalt  }
0x53: {  	_ =	shalt  }
0x54: {  	_ =	shalt  }
0x55: {  	_ =	shalt  }
0x56: {  	_ =	shalt  }
0x57: {  	_ =	shalt  }
0x58: {  	_ =	shalt  }
0x59: {  	_ =	shalt  }
0x5a: {  	_ =	shalt  }
0x5b: {  	_ =	shalt  }
0x5c: {  	_ =	shalt  }
0x5d: {  	_ =	shalt  }
0x5e: {  	_ =	shalt  }
0x5f: {  	_ =	shalt  }
0x60: {  	_ =	shalt  }
0x61: {  	_ =	shalt  }
0x62: {  	_ =	shalt  }
0x63: {  	_ =	shalt  }
0x64: {  	_ =	shalt  }
0x65: {  	_ =	shalt  }
0x66: {  	_ =	shalt  }
0x67: {  	_ =	shalt  }
0x68: {  	_ =	shalt  }
0x69: {  	_ =	shalt  }
0x6a: {  	_ =	shalt  }
0x6b: {  	_ =	shalt  }
0x6c: {  	_ =	shalt  }
0x6d: {  	_ =	shalt  }
0x6e: {  	_ =	shalt  }
0x6f: {  	_ =	shalt  }
0x70: {  	_ =	shalt  }
0x71: {  	_ =	shalt  }
0x72: {  	_ =	shalt  }
0x73: {  	_ =	shalt  }
0x74: {  	_ =	shalt  }
0x75: {  	_ =	shalt  }
0x76: {  	_ =	shalt  }
0x77: {  	_ =	shalt  }
0x78: {  	_ =	shalt  }
0x79: {  	_ =	shalt  }
0x7a: {  	_ =	shalt  }
0x7b: {  	_ =	shalt  }
0x7c: {  	_ =	shalt  }
0x7d: {  	_ =	shalt  }
0x7e: {  	_ =	shalt  }
0x7f: {  	_ =	shalt  }
0x80: {  	_ =	shalt  }
0x81: {  	_ =	shalt  }
0x82: {  	_ =	shalt  }
0x83: {  	_ =	shalt  }
0x84: {  	_ =	shalt  }
0x85: {  	_ =	shalt  }
0x86: {  	_ =	shalt  }
0x87: {  	_ =	shalt  }
.Lfunc_end0:
.L_simem_size_0:
called_computation_lowered:
.L_overlay_start_0:
0x88: {  	s2 =	sld [smem:$0x3FD9]  }
0x89: {  	s3 =	sld [smem:$0x3FFE];
	_ =	sdelay $0x1  }
0x8a: {  	s1 =	srdreg.scid  }
0x8b: {  	s0 =	sand.u32 $0x1, s1  }
0x8c: {  	s17 =	sshll.u32 s0, $0xA;
	s2 =	sadd.s32 s3, s2  }
0x8d: {  	s2 =	sadd.s32 s2, s17  }
0x8e: {  	[smem:$0x3FC5] =	sst s2  }
0x8f: {  	_ = 	snop  }
0x90: {  	s2 =	sld [smem:$0x3FC9];
	(tm) =	ssettm $0x1  }
0x91: {  	s18 =	sld [smem:$0x3FFB];
	_ =	sdelay $0x3  }
0x92: {  	_ =	strace s18  }
0x93: {  	s3 =	sld [smem:$0x3FFC];
	_ =	sdelay $0x3  }
0x94: {  	_ =	strace s3  }
0x95: {  	s3 =	sld [smem:$0x3FFD];
	_ =	sdelay $0x3  }
0x96: {  	_ =	strace s3  }
0x97: {  	_ =	strace $0x8FFFFFFF  }
0x98: {  	s19 =	sld [smem:$0x3FDB];
	_ =	sdelay $0x1  }
0x99: {  	s4 =	simm.s32 $_scs_section_size  }
0x9a: {  	s5 =	simm.s32 $_size__tile_overlayer_lowered;
	s6 =	simm.s32 $_tile_overlayer_lowered  }
0x9b: {  	s22 =	simm.s32 $0x1BFF;
	s21 =	sshll.u32 s6, $0x1;
	s3 =	sadd.s32 s4, s19  }
0x9c: {  	s7 =	simm.s32 $0x0;
	s20 =	sshll.u32 s5, $0x1;
	s5 =	sadd.s32 s21, s3  }
0x9d: {  	[timem:s7], [sflag:s22] =	dma.local [hbm:s5], s20  }
0x9e: {  	_ =	swait.ge [sflag:s22], s20  }
0x9f: {  	s4 =	ssub.s32 $0x0, s20;
	[sflag:s22] =	ssyncset.done $0x0  }
0xa0: {  	[sflag:s22] =	ssyncadd.s32 s4;
	_ =	sdelay $0x1  }
0xa1: {  	s23 =	simm.s32 $0x1B8B  }
0xa2: {  	_ =	swait.ge [sflag:s23], $0x1  }
0xa3: {  	[sflag:s23] =	ssyncset.done $0x0  }
0xa4: {  	s25 =	simm.s32 $0x1B8E;
	s24 =	sld [smem:$0x3FFE];
	[sflag:s23] =	ssyncadd.s32 $0xFFFFFFFF  }
0xa5: {  	s26 =	simm.s32 $execute0_lowered;
	[smem:$0x3FD2] =	sst s25  }
0xa6: {  	s5 =	sshll.u32 s26, $0x1;
	_ =	strace $0x80000046;
	[dreg:$0x1] =	wrdreg $0xFFFFFFFF  }
0xa7: {  	s28 =	simm.s32 $_size_execute0_lowered;
	s3 =	sadd.s32 s3, s5;
	[dreg:$0x0] =	wrdreg $0x0  }
0xa8: {  	s5 =	sshll.u32 s28, $0x1;
	[dreg:$0x2] =	wrdreg s3  }
0xa9: {  	[dreg:$0x3] =	wrdreg s5  }
0xaa: {  	[dreg:$0x4] =	wrdreg $0xC0  }
0xab: {  	_ =	task [dreg:s7], $0x5FFFF  }
0xac: {  	[dreg:$0x1] =	wrdreg $0xFFFFFFFF  }
0xad: {  	[dreg:$0x0] =	wrdreg $0x60  }
0xae: {  	[dreg:$0x2] =	wrdreg s2  }
0xaf: {  	[dreg:$0x3] =	wrdreg s24  }
0xb0: {  	[dreg:$0x4] =	wrdreg $0x1AD800  }
0xb1: {  	[dreg:$0x5] =	wrdreg $0x9  }
0xb2: {  	_ =	task.clear_ibuf [dreg:s7], $0x6FFFF;
	_ =	strace $0x90000046  }
0xb3: {  	s29 =	simm.s32 $0x9;
	_ =	strace $0x80000048  }
0xb4: {  	_ =	swait.ge [sflag:s29], $0x1  }
0xb5: {  	[sflag:s29] =	ssyncadd.s32 $0xFFFFFFFF  }
0xb6: {  	_ =	strace $0x90000048  }
0xb7: {  	_ =	sfence  }
0xb8: {  	s30 =	sld [smem:$0x0];
	_ =	sdelay $0x2  }
0xb9: {  	s31 =	sshll.u32 s1, $0xD;
	s1 =	sshrl.u32 s1, $0x2  }
0xba: {  	s3 =	sand.u32 $0x4000, s31;
	s1 =	sadd.s32 s1, s30  }
0xbb: {  	s0 =	sor.u32 s3, s0;
	s1 =	sshll.u32 s1, $0x11  }
0xbc: {  	s0 =	sor.u32 s1, s0  }
0xbd: {  	s0 =	sadd.s32 $0x8F2B, s0  }
0xbe: {  	[sflag:s0] =	ssyncadd.remote.s32 $0x1  }
0xbf: {  	_ =	sfence.sel $0xFFFF  }
0xc0: {  	[dreg:$0x0] =	wrdreg $0xFFFFFFFF;
	(pc) =	sbr.abs _section_cstart, $3  }
0xc1: {  	[dreg:$0x1] =	wrdreg $0xFFFFFFFF  }
0xc2: {  	_ =	task.clear_ibuf [dreg:s7], $0x2FFFF;
	_ =	strace $0x9FFFFFFF  }
0xc3: {  	(tm) =	ssettm $0x7FFFFFFF  }
tec
execute0_lowered:
.L_overlay_start_1:
0x0: {  	(tag) =	ssettag $0x1  }
0x1: {  	s1 =	rddreg [dreg:$0x0]  }
0x2: {  	s6 =	rddreg [dreg:$0x1]  }
0x3: {  	s0 =	srdreg.scid;
	s3 =	rddreg [dreg:$0x2]  }
0x4: {  	s2 =	rddreg [dreg:$0x3];
	s4 =	simm.s32 $0x0;
	s15 =	simm.s32 $0xC000  }
0x5: {  	s16 =	simm.s32 $0x18000;
	s17 =	simm.s32 $0x5;
	s18 =	simm.s32 $0x18F00  }
0x6: {  	v2 =	vlaneseq.u32;
	v1 =	vimm.f32 $0.0e+00;
	s19 =	simm.s32 $0x1AB00;
	s20 =	simm.s32 $0x1AD00;
	s7 =	sand.u32 $0x1, s0  }
0x7: {  	vm0 =	vmmov $0xffff;
	v3 =	vimm.s32 $0x1;
	v4 =	vimm.s32 $0x80;
	s21 =	simm.s32 $0x0;
	s0 =	stileid.u32;
	s5 =	smul.u32 $0x5, s7  }
0x8: {  	v5 =	vimm.s32 $0x81;
	v6 =	vimm.s32 $0x100;
	v7 =	vimm.s32 $0x101;
	[smem:$0x7FF] =	sst s4;
	s8 =	smul.u32 $0x3, s0;
	s24 =	sshll.u32 s7, $0x4  }
0x9: {  	v12 =	vimm.s32 $0x0;
	v21 =	vimm.s32 $0x1881;
	vm1 =	vcmask $0x300;
	_ =	strace $0x80000047;
	s29 =	smul.u32 $0x3C00, s0;
	s25 =	sor.u32 s0, s24  }
0xa: {  	v22 =	vimm.s32 $0x1882;
	v23 =	vimm.s32 $0x1883;
	v24 =	vimm.s32 $0x1884;
	s7 =	ssub.s32 $0x2, s7;
	p0 =	sgt.u32 s0, $0x4;
	s26 =	smul.u32 $0xF000, s25  }
0xb: {  	vm2 =	vcmask $0x700;
	v2 =	vmul.u32 $0x80, v2;
	v21 =	vsel vm1, $0x1801, v21;
	s28 =	sshrl.u32 s7, $0x1;
	s5 =	sadd.s32 s0, s5;
	s12 =	smul.u32 $0x78000, s25  }
0xc: {  	v22 =	vsel vm1, $0x1802, v22;
	v23 =	vsel vm1, $0x1803, v23;
	v24 =	vsel vm1, $0x1804, v24;
	s10 =	sshll.u32 s25, $0x4;
	s14 =	ssub.s32 s7, s28;
	s9 =	smul.u32 $0x380, s5  }
0xd: {  	vm1 =	vmmov $0x3;
	v25 =	vsel vm2, $0x3F800000, v1;
	v8 =	vor.u32 $0x1, v2;
	s5 =	sadd.s32 $0x4200, s6;
	s13 =	sadd.s32 s10, s6;
	s10 =	sshrl.u32 s29, $0x2  }
0xe: {  	v9 =	vor.u32 $0x2, v2;
	v10 =	vor.u32 $0x3, v2;
	v11 =	vor.u32 $0x4, v2;
	s30 =	sshrl.u32 s12, $0x3;
	s7 =	sadd.s32 s1, s26;
	s10 =	sadd.s32 s10, s3  }
0xf: {  	v13 =	vor.u32 $0x801, v2;
	v14 =	vor.u32 $0x802, v2;
	v15 =	vor.u32 $0x803, v2;
	s12 =	sadd.s32 $0x4400, s13;
	s13 =	smax.u32 s14, $0x1;
	s14 =	simm.s32 $0x6000  }
0x10: {  	v16 =	vor.u32 $0x804, v2;
	v17 =	vor.u32 $0x1001, v2;
	v18 =	vor.u32 $0x1002, v2;
	s11 =	sadd.s32 s9, s6;
	s6 =	smul.u32 $0x3C, s25;
	s31 =	sadd.s32 s1, s30  }
0x11: {  	v19 =	vor.u32 $0x1003, v2;
	v20 =	vor.u32 $0x1004, v2;
	v0 =	vmov s8;
	s8 =	sadd.s32 $0xC00, s7;
	s9 =	sadd.s32 $0x1800, s31;
	s11 =	sadd.s32 $0xA00, s11  }
.LBB2_1:
0x12: {  	[tilespmem:s4], [sflag:$0x1] =	stream.linear.gather [hbm4b:s7+s4], $0x6000, $0x38;
	[tilespmem:$0x1BC80] =	vst v63  }
0x13: {  	_ = 	snop  }
0x14: {  	[tilespmem:s14], [sflag:$0x2] =	stream.linear.gather [hbm4b:s8+s4], $0x6000, $0x38;
	[tilespmem:$0x1BC80] =	vst v63  }
0x15: {  	s22 =	simm.s32 $0x40;
	s23 =	simm.s32 $0x0  }
0x16: {  	[tilespmem:s15], [sflag:$0x3] =	stream.linear.gather [hbm4b:s9+s4], $0x6000, $0x38;
	[tilespmem:$0x1BC80] =	vst v63  }
.LBB2_2:
0x17: {  	p1 =	sne.s32 s22, $0x3BC0;
	[tilespmem:s23+$0x18000] =	vst v1;
	s23 =	smov.u32 s22;
	s22 =	sadd.s32 $0x40, s22  }
.Ltmp0:
0x18: {  	(pc) =	sbr.rel @p1 .LBB2_2-.Ltmp0, $2  }
0x19: {  	_ =	sdelay $0x2  }
0x1a: {  	s23 =	sshra.s32 s23, $0x2  }
0x1b: {  	[tilespmem:s23+$0x18000] =	vst v1  }
0x1c: {  	[spmem:s10] =	stream.linear.scatter [tilespmem:s16], [sflag:$0x5], $0xF00, $0x38;
	[tilespmem:$0x1BC80] =	vst v63  }
.Ltmp1:
0x1d: {  	_ =	swait.ge [sflag:s17], $0xF00;
	(pc) =	sbr.rel @p0 .LBB2_5-.Ltmp1, $3  }
0x1e: {  	[sflag:s17] =	ssyncset.done $0x0  }
0x1f: {  	[sflag:s17] =	ssyncadd.s32 $0xFFFFF100  }
0x20: {  	[bflag:$0x0] =	sbarrier.arrive $0xFFFF;
	_ =	sdelay $0x1  }
0x21: {  	[tilespmem:s18], [sflag:$0x5] =	stream.linear.gather [hbm4b:s11+s4], $0x1900, $0x38;
	[tilespmem:$0x1BC80] =	vst v63  }
0x22: {  	_ =	swait.ge [sflag:s17], $0x1900  }
0x23: {  	[sflag:s17] =	ssyncset.done $0x0  }
0x24: {  	[sflag:s17] =	ssyncadd.s32 $0xFFFFE700  }
0x25: {  	[tilespmem:s19], [sflag:$0x5] =	stream.linear.gather [hbm4b:s5+s4], $0x180, $0x38;
	[tilespmem:$0x1BC80] =	vst v63  }
0x26: {  	_ =	swait.ge [sflag:s17], $0x180  }
0x27: {  	[sflag:s17] =	ssyncset.done $0x0  }
0x28: {  	[sflag:s17] =	ssyncadd.s32 $0xFFFFFE80  }
0x29: {  	v28 =	vld.msk [tilespmem:s19+$0x0], $0xffff  }
0x2a: {  	v32 =	vld.idx.msk [tilespmem:v10+s18+$0x0], $0xffff  }
0x2b: {  	v33 =	vld.idx.msk [tilespmem:v11+s18+$0x0], $0xffff  }
0x2c: {  	v29 =	vld.idx.msk [tilespmem:v3+s19+$0x0], $0xffff  }
0x2d: {  	v30 =	vld.idx.msk [tilespmem:v4+s19+$0x0], $0xffff  }
0x2e: {  	v31 =	vld.idx.msk [tilespmem:v5+s19+$0x0], $0xffff  }
0x2f: {  	v26 =	vld.idx.msk [tilespmem:v6+s19+$0x0], $0xffff  }
0x30: {  	v27 =	vld.idx.msk [tilespmem:v7+s19+$0x0], $0xffff;
	v35 =	vmul.f32 $6.400000000e+01, v32;
	v36 =	vmul.f32 $6.400000000e+01, v33;
	_ =	sdelay $0x1  }
0x31: {  	v37 =	vmul.f32 v36, v35;
	v32 =	vmin.f32 v28, v35;
	v33 =	vmin.f32 v29, v36  }
0x32: {  	v38 =	vmul.f32 v33, v32;
	v33 =	vmul.f32 v29, v28  }
0x33: {  	v34 =	vmul.f32 v31, v30;
	v50 =	vmin.f32 v30, v35;
	v39 =	vmin.f32 v31, v36  }
0x34: {  	v35 =	vmin.f32 v26, v35;
	v32 =	vmul.f32 v27, v26;
	v40 =	vadd.f32 v37, v33  }
0x35: {  	v36 =	vmin.f32 v27, v36;
	v39 =	vmul.f32 v39, v50;
	v41 =	vadd.f32 v37, v34  }
0x36: {  	v35 =	vmul.f32 v36, v35;
	v51 =	vadd.f32 v37, v32;
	v40 =	vsub.f32 v40, v38  }
0x37: {  	v52 =	vsub.f32 v41, v39  }
0x38: {  	v36 =	vsub.f32 v51, v35;
	(erf) = vrcp.f32 v40  }
0x39: {  	(erf) = vrcp.f32 v52  }
0x3a: {  	v54 =	vld.idx.msk [tilespmem:v9+s18+$0x0], $0xffff;
	(erf) = vrcp.f32 v36;
	_ =	sdelay $0x3  }
0x3b: {  	v53 =	vld.idx.msk [tilespmem:v8+s18+$0x0], $0xffff  }
0x3c: {  	v37 =	vmul.f32 $6.400000000e+01, v54;
	_ =	sdelay $0x1  }
0x3d: {  	v37 =	vtrunc.f32 v37;
	v40 =	vpop (erf)  }
0x3e: {  	v37 =	vcvt.f32.s32 v37;
	v55 =	vpop (erf)  }
0x3f: {  	v36 =	vmul.f32 $6.400000000e+01, v53;
	v38 =	vmul.f32 v40, v38;
	v56 =	vpop (erf)  }
0x40: {  	v39 =	vmul.f32 v55, v39;
	v35 =	vmul.f32 v56, v35  }
0x41: {  	vm9 =	vgt.s32 v37, $0x0  }
0x42: {  	v36 =	vtrunc.f32 v36;
	vm2 =	vgt.f32 v39, v38;
	vm3 =	vge.f32 v39, v35  }
0x43: {  	vm4 =	vgt.f32 v35, v39;
	vm2 =	vmand vm2, vm3;
	vm3 =	vgt.f32 v35, v38  }
0x44: {  	v36 =	vcvt.f32.s32 v36;
	vm3 =	vmand vm3, vm4;
	v57 =	vsel vm2, $0x1, v12  }
0x45: {  	v37 =	vnsel vm9, $0x0, v37;
	v58 =	vsel vm3, $0x2, v12;
	v40 =	vadd.s32 v57, v0  }
0x46: {  	v37 =	vmin.u32 v37, $0x3F;
	vm2 =	vgt.s32 v36, $0x0;
	v40 =	vadd.s32 v58, v40  }
0x47: {  	v37 =	vshll.u32 v37, $0x6;
	v36 =	vnsel vm2, $0x0, v36;
	v40 =	vshll.u32 v40, $0xC  }
0x48: {  	v36 =	vmin.u32 v36, $0x3F;
	v37 =	vor.u32 v37, v40  }
0x49: {  	v38 =	vmax.f32 v38, v39;
	v36 =	vor.u32 v36, v37  }
0x4a: {  	v35 =	vmax.f32 v38, v35  }
0x4b: {  	vm2 =	vgt.f32 v35, $9.999999740e-05  }
0x4c: {  	v35 =	vsel vm2, $0x3F800000, v1  }
0x4d: {  	[tilespmem:$0x1AD00] =	vst v35  }
0x4e: {  	[spmem:s3] =	stream.indirect_vreg.scatter.add.f32 [tilespmem:s20], [sflag:$0x5], $0x1, v36, vm0, $0xb8;
	[tilespmem:$0x1BC80] =	vst v63  }
0x4f: {  	_ =	swait.ge [sflag:s17], $0x10  }
0x50: {  	[sflag:s17] =	ssyncset.done $0x0  }
0x51: {  	[sflag:s17] =	ssyncadd.s32 $0xFFFFFFF0  }
0x52: {  	v59 =	vld.idx.msk [tilespmem:v15+s18+$0x0], $0xffff  }
0x53: {  	v60 =	vld.idx.msk [tilespmem:v16+s18+$0x0], $0xffff;
	_ =	sdelay $0x4  }
0x54: {  	v35 =	vmul.f32 $6.400000000e+01, v59;
	v36 =	vmul.f32 $6.400000000e+01, v60;
	_ =	sdelay $0x1  }
0x55: {  	v61 =	vmul.f32 v36, v35;
	v62 =	vmin.f32 v28, v35  }
0x56: {  	v63 =	vmin.f32 v29, v36;
	v44 =	vmin.f32 v30, v35;
	v45 =	vmin.f32 v31, v36  }
0x57: {  	v35 =	vmin.f32 v26, v35;
	v38 =	vmul.f32 v63, v62;
	v46 =	vadd.f32 v61, v33  }
0x58: {  	v36 =	vmin.f32 v27, v36;
	v40 =	vmul.f32 v45, v44;
	v47 =	vadd.f32 v61, v34  }
0x59: {  	v35 =	vmul.f32 v36, v35;
	v48 =	vadd.f32 v61, v32;
	v39 =	vsub.f32 v46, v38  }
0x5a: {  	v49 =	vsub.f32 v47, v40  }
0x5b: {  	v36 =	vsub.f32 v48, v35;
	(erf) = vrcp.f32 v39  }
0x5c: {  	(erf) = vrcp.f32 v49  }
0x5d: {  	v51 =	vld.idx.msk [tilespmem:v14+s18+$0x0], $0xffff;
	(erf) = vrcp.f32 v36;
	_ =	sdelay $0x3  }
0x5e: {  	v50 =	vld.idx.msk [tilespmem:v13+s18+$0x0], $0xffff  }
0x5f: {  	v37 =	vmul.f32 $6.400000000e+01, v51;
	_ =	sdelay $0x1  }
0x60: {  	v37 =	vtrunc.f32 v37;
	v39 =	vpop (erf)  }
0x61: {  	v37 =	vcvt.f32.s32 v37;
	v52 =	vpop (erf)  }
0x62: {  	v36 =	vmul.f32 $6.400000000e+01, v50;
	v38 =	vmul.f32 v39, v38;
	v53 =	vpop (erf)  }
0x63: {  	v40 =	vmul.f32 v52, v40;
	v35 =	vmul.f32 v53, v35  }
0x64: {  	vm11 =	vgt.s32 v37, $0x0  }
0x65: {  	v36 =	vtrunc.f32 v36;
	vm2 =	vgt.f32 v40, v38;
	vm3 =	vge.f32 v40, v35  }
0x66: {  	vm10 =	vgt.f32 v35, v40;
	vm2 =	vmand vm2, vm3;
	vm3 =	vgt.f32 v35, v38  }
0x67: {  	v36 =	vcvt.f32.s32 v36;
	vm3 =	vmand vm3, vm10;
	v54 =	vsel vm2, $0x1, v12  }
0x68: {  	v37 =	vnsel vm11, $0x0, v37;
	v55 =	vsel vm3, $0x2, v12;
	v39 =	vadd.s32 v54, v0  }
0x69: {  	v37 =	vmin.u32 v37, $0x3F;
	vm2 =	vgt.s32 v36, $0x0;
	v39 =	vadd.s32 v55, v39  }
0x6a: {  	v37 =	vshll.u32 v37, $0x6;
	v36 =	vnsel vm2, $0x0, v36;
	v39 =	vshll.u32 v39, $0xC  }
0x6b: {  	v36 =	vmin.u32 v36, $0x3F;
	v37 =	vor.u32 v37, v39  }
0x6c: {  	v38 =	vmax.f32 v38, v40;
	v36 =	vor.u32 v36, v37  }
0x6d: {  	v35 =	vmax.f32 v38, v35  }
0x6e: {  	vm2 =	vgt.f32 v35, $9.999999740e-05  }
0x6f: {  	v35 =	vsel vm2, $0x3F800000, v1  }
0x70: {  	[tilespmem:$0x1AD00] =	vst v35  }
0x71: {  	[spmem:s3] =	stream.indirect_vreg.scatter.add.f32 [tilespmem:s20], [sflag:$0x5], $0x1, v36, vm0, $0xb8;
	[tilespmem:$0x1BC80] =	vst v63  }
0x72: {  	_ =	swait.ge [sflag:s17], $0x10  }
0x73: {  	[sflag:s17] =	ssyncset.done $0x0  }
0x74: {  	[sflag:s17] =	ssyncadd.s32 $0xFFFFFFF0  }
0x75: {  	v56 =	vld.idx.msk [tilespmem:v19+s18+$0x0], $0xffff  }
0x76: {  	v57 =	vld.idx.msk [tilespmem:v20+s18+$0x0], $0xffff;
	_ =	sdelay $0x4  }
0x77: {  	v35 =	vmul.f32 $6.400000000e+01, v56;
	v36 =	vmul.f32 $6.400000000e+01, v57;
	_ =	sdelay $0x1  }
0x78: {  	v58 =	vmul.f32 v36, v35;
	v59 =	vmin.f32 v28, v35  }
0x79: {  	v60 =	vmin.f32 v29, v36;
	v61 =	vmin.f32 v30, v35;
	v62 =	vmin.f32 v31, v36  }
0x7a: {  	v35 =	vmin.f32 v26, v35;
	v38 =	vmul.f32 v60, v59;
	v63 =	vadd.f32 v58, v33  }
0x7b: {  	v36 =	vmin.f32 v27, v36;
	v40 =	vmul.f32 v62, v61;
	v44 =	vadd.f32 v58, v34  }
0x7c: {  	v35 =	vmul.f32 v36, v35;
	v45 =	vadd.f32 v58, v32;
	v39 =	vsub.f32 v63, v38  }
0x7d: {  	v46 =	vsub.f32 v44, v40  }
0x7e: {  	v36 =	vsub.f32 v45, v35;
	(erf) = vrcp.f32 v39  }
0x7f: {  	(erf) = vrcp.f32 v46  }
0x80: {  	v48 =	vld.idx.msk [tilespmem:v18+s18+$0x0], $0xffff;
	(erf) = vrcp.f32 v36;
	_ =	sdelay $0x3  }
0x81: {  	v47 =	vld.idx.msk [tilespmem:v17+s18+$0x0], $0xffff  }
0x82: {  	v37 =	vmul.f32 $6.400000000e+01, v48;
	_ =	sdelay $0x1  }
0x83: {  	v37 =	vtrunc.f32 v37;
	v39 =	vpop (erf)  }
0x84: {  	v37 =	vcvt.f32.s32 v37;
	v49 =	vpop (erf)  }
0x85: {  	v36 =	vmul.f32 $6.400000000e+01, v47;
	v38 =	vmul.f32 v39, v38;
	v50 =	vpop (erf)  }
0x86: {  	v40 =	vmul.f32 v49, v40;
	v35 =	vmul.f32 v50, v35  }
0x87: {  	vm13 =	vgt.s32 v37, $0x0  }
0x88: {  	v36 =	vtrunc.f32 v36;
	vm2 =	vgt.f32 v40, v38;
	vm3 =	vge.f32 v40, v35  }
0x89: {  	vm12 =	vgt.f32 v35, v40;
	vm2 =	vmand vm2, vm3;
	vm3 =	vgt.f32 v35, v38  }
0x8a: {  	v36 =	vcvt.f32.s32 v36;
	vm3 =	vmand vm3, vm12;
	v51 =	vsel vm2, $0x1, v12  }
0x8b: {  	v37 =	vnsel vm13, $0x0, v37;
	v52 =	vsel vm3, $0x2, v12;
	v39 =	vadd.s32 v51, v0  }
0x8c: {  	v37 =	vmin.u32 v37, $0x3F;
	vm2 =	vgt.s32 v36, $0x0;
	v39 =	vadd.s32 v52, v39  }
0x8d: {  	v37 =	vshll.u32 v37, $0x6;
	v36 =	vnsel vm2, $0x0, v36;
	v39 =	vshll.u32 v39, $0xC  }
0x8e: {  	v36 =	vmin.u32 v36, $0x3F;
	v37 =	vor.u32 v37, v39  }
0x8f: {  	v38 =	vmax.f32 v38, v40;
	v36 =	vor.u32 v36, v37  }
0x90: {  	v35 =	vmax.f32 v38, v35  }
0x91: {  	vm2 =	vgt.f32 v35, $9.999999740e-05  }
0x92: {  	v35 =	vsel vm2, $0x3F800000, v1  }
0x93: {  	[tilespmem:$0x1AD00] =	vst v35  }
0x94: {  	[spmem:s3] =	stream.indirect_vreg.scatter.add.f32 [tilespmem:s20], [sflag:$0x5], $0x1, v36, vm0, $0xb8;
	[tilespmem:$0x1BC80] =	vst v63  }
0x95: {  	_ =	swait.ge [sflag:s17], $0x10  }
0x96: {  	[sflag:s17] =	ssyncset.done $0x0  }
0x97: {  	[sflag:s17] =	ssyncadd.s32 $0xFFFFFFF0  }
0x98: {  	v53 =	vld.idx.msk [tilespmem:v23+s18+$0x0], $0xffff  }
0x99: {  	v54 =	vld.idx.msk [tilespmem:v24+s18+$0x0], $0xffff;
	_ =	sdelay $0x4  }
0x9a: {  	v35 =	vmul.f32 $6.400000000e+01, v53;
	v36 =	vmul.f32 $6.400000000e+01, v54;
	_ =	sdelay $0x1  }
0x9b: {  	v55 =	vmul.f32 v36, v35;
	v28 =	vmin.f32 v28, v35  }
0x9c: {  	v29 =	vmin.f32 v29, v36;
	v30 =	vmin.f32 v30, v35;
	v31 =	vmin.f32 v31, v36  }
0x9d: {  	v26 =	vmin.f32 v26, v35;
	v28 =	vmul.f32 v29, v28;
	v56 =	vadd.f32 v55, v33  }
0x9e: {  	v27 =	vmin.f32 v27, v36;
	v30 =	vmul.f32 v31, v30;
	v57 =	vadd.f32 v55, v34  }
0x9f: {  	v26 =	vmul.f32 v27, v26;
	v27 =	vadd.f32 v55, v32;
	v29 =	vsub.f32 v56, v28  }
0xa0: {  	v31 =	vsub.f32 v57, v30  }
0xa1: {  	v27 =	vsub.f32 v27, v26;
	(erf) = vrcp.f32 v29  }
0xa2: {  	(erf) = vrcp.f32 v31  }
0xa3: {  	v58 =	vld.idx.msk [tilespmem:v22+s18+$0x0], $0xffff;
	(erf) = vrcp.f32 v27;
	_ =	sdelay $0x3  }
0xa4: {  	v27 =	vld.idx.msk [tilespmem:v21+s18+$0x0], $0xffff  }
0xa5: {  	v29 =	vmul.f32 $6.400000000e+01, v58;
	_ =	sdelay $0x1  }
0xa6: {  	v29 =	vtrunc.f32 v29;
	v59 =	vpop (erf)  }
0xa7: {  	v29 =	vcvt.f32.s32 v29;
	v60 =	vpop (erf)  }
0xa8: {  	v27 =	vmul.f32 $6.400000000e+01, v27;
	v28 =	vmul.f32 v59, v28;
	v61 =	vpop (erf)  }
0xa9: {  	v30 =	vmul.f32 v60, v30;
	v26 =	vmul.f32 v61, v26  }
0xaa: {  	vm15 =	vgt.s32 v29, $0x0  }
0xab: {  	v27 =	vtrunc.f32 v27;
	vm2 =	vgt.f32 v30, v28;
	vm3 =	vge.f32 v30, v26  }
0xac: {  	vm14 =	vgt.f32 v26, v30;
	vm2 =	vmand vm2, vm3;
	vm3 =	vgt.f32 v26, v28  }
0xad: {  	v27 =	vcvt.f32.s32 v27;
	vm3 =	vmand vm3, vm14;
	v62 =	vsel vm2, $0x1, v12  }
0xae: {  	v29 =	vnsel vm15, $0x0, v29;
	v63 =	vsel vm3, $0x2, v12;
	v31 =	vadd.s32 v62, v0  }
0xaf: {  	v29 =	vmin.u32 v29, $0x3F;
	vm2 =	vgt.s32 v27, $0x0;
	v31 =	vadd.s32 v63, v31  }
0xb0: {  	v29 =	vshll.u32 v29, $0x6;
	v27 =	vnsel vm2, $0x0, v27;
	v31 =	vshll.u32 v31, $0xC  }
0xb1: {  	v27 =	vmin.u32 v27, $0x3F;
	v29 =	vor.u32 v29, v31  }
0xb2: {  	v27 =	vor.u32 v27, v29  }
0xb3: {  	v28 =	vmax.f32 v28, v30;
	v27 =	vnsel vm1, $0x0, v27  }
0xb4: {  	v26 =	vmax.f32 v28, v26  }
0xb5: {  	vm2 =	vgt.f32 v26, $9.999999740e-05  }
0xb6: {  	v26 =	vnsel vm2, $0x0, v25  }
0xb7: {  	[tilespmem:$0x1AD00] =	vst v26  }
0xb8: {  	[spmem:s3] =	stream.indirect_vreg.scatter.add.f32 [tilespmem:s20], [sflag:$0x5], $0x1, v27, vm0, $0xb8;
	[tilespmem:$0x1BC80] =	vst v63  }
0xb9: {  	_ =	swait.ge [sflag:s17], $0x10  }
0xba: {  	[sflag:s17] =	ssyncset.done $0x0  }
0xbb: {  	[sflag:s17] =	ssyncadd.s32 $0xFFFFFFF0  }
.LBB2_5:
0xbc: {  	[bflag:$0x0] =	sbarrier.arrive $0xFFFF;
	s22 =	simm.s32 $0x18000  }
0xbd: {  	[tilespmem:s22], [sflag:$0x5] =	stream.linear.gather [spmem:s10], $0xF00, $0x38;
	[tilespmem:$0x1BC80] =	vst v63  }
0xbe: {  	_ =	swait.ge [sflag:s17], $0xF00  }
0xbf: {  	[sflag:s17] =	ssyncset.done $0x0  }
0xc0: {  	s23 =	simm.s32 $0x0;
	v29 =	vimm.f32 $0.0e+00;
	s24 =	simm.s32 $0x0;
	[sflag:s17] =	ssyncadd.s32 $0xFFFFF100  }
.LBB2_6:
0xc1: {  	s25 =	sand.u32 $0x3, s24  }
0xc2: {  	p1 =	sgt.u32 s24, $0x10;
	v26 =	vmov s25  }
0xc3: {  	s29 =	simm.s32 $0x0;
	s26 =	sadd.s32 @!p1 $0x3, s24;
	v26 =	vmul.u32 $0x6000, v26  }
0xc4: {  	s30 =	sand.u32 $0x30, s23;
	s29 =	sand.u32 $0xFFFFE000, s29;
	s28 =	smul.u32 @!p1 $0x3, s26  }
0xc5: {  	v27 =	vmov s30;
	v28 =	vadd.s32 s29, v26  }
0xc6: {  	s26 =	sand.u32 @!p1 $0x3, s26;
	v27 =	vshll.u32 v27, $0x7;
	s28 =	sadd.s32 @!p1 s6, s28;
	v28 =	vbroadcast v28, $0x0  }
0xc7: {  	s30 =	smul.u32 @!p1 $0x18000, s26;
	v27 =	vor.u32 v2, v27;
	s28 =	sshll.u32 @!p1 s28, $0xA  }
0xc8: {  	s25 =	sadd.s32 $0x1, s25;
	s26 =	sadd.s32 @!p1 $0x1, s26;
	s28 =	sand.u32 @!p1 $0x1FFFFC00, s28;
	v27 =	vor.u32 v28, v27  }
0xc9: {  	s29 =	sshrl.u32 @!p1 s30, $0x2;
	s30 =	simm.s32 @!p1 $0x0;
	s28 =	sadd.s32 @!p1 s1, s28;
	v27 =	vor.u32 $0x4, v27  }
0xca: {  	[tilespmem:s29], [sflag:s26] =	stream.linear.gather @!p1 [hbm4b:s28+s30], $0x6000, $0x38;
	[tilespmem:$0x1BC80] =	vst v63  }
0xcb: {  	_ =	swait.ge [sflag:s25], $0x6000  }
0xcc: {  	[sflag:s25] =	ssyncset.done $0x0  }
0xcd: {  	[sflag:s25] =	ssyncadd.s32 $0xFFFFA000  }
0xce: {  	v27 =	vld.idx.msk [tilespmem:v27+s4+$0x0], $0xffff;
	_ =	sdelay $0x4  }
0xcf: {  	v28 =	vsub.f32 $1.000000000e+00, v27  }
0xd0: {  	v32 =	vmax.f32 v27, $1.175494350e-38  }
0xd1: {  	v27 =	vand.u32 $0x7FFFFF, v32;
	v33 =	vmax.f32 v28, $1.175494350e-38  }
0xd2: {  	v27 =	vor.u32 $0x3F800000, v27;
	v28 =	vand.u32 $0x7FFFFF, v33  }
0xd3: {  	v34 =	vadd.f32 $-1.000000000e+00, v27;
	v28 =	vor.u32 $0x3F800000, v28  }
0xd4: {  	s31 =	simm.s32 $0x800;
	s30 =	simm.s32 $0x10;
	v35 =	vadd.f32 $-1.000000000e+00, v28  }
0xd5: {  	s29 =	sand.u32 $0xFFFFE000, s31;
	s25 =	sand.u32 $0x30, s30;
	v28 =	vmul.f32 $9.118586770e-03, v34  }
0xd6: {  	v31 =	vadd.s32 s29, v26;
	v27 =	vmov s25;
	v30 =	vmul.f32 $9.118586770e-03, v35  }
0xd7: {  	v31 =	vbroadcast v31, $0x0;
	v27 =	vshll.u32 v27, $0x7;
	v28 =	vsub.f32 $5.115626750e-02, v28  }
0xd8: {  	v27 =	vor.u32 v2, v27;
	v30 =	vsub.f32 $5.115626750e-02, v30  }
0xd9: {  	v27 =	vor.u32 v31, v27;
	v28 =	vmul.f32 v28, v34  }
0xda: {  	v27 =	vor.u32 $0x4, v27;
	v30 =	vmul.f32 v30, v35  }
0xdb: {  	v28 =	vadd.f32 $-1.358065160e-01, v28  }
0xdc: {  	v30 =	vadd.f32 $-1.358065160e-01, v30  }
0xdd: {  	v28 =	vmul.f32 v28, v34  }
0xde: {  	v30 =	vmul.f32 v30, v35  }
0xdf: {  	s30 =	simm.s32 $0x20;
	v31 =	vld.idx.msk [tilespmem:v27+s4+$0x0], $0xffff;
	v27 =	vadd.f32 $2.401828320e-01, v28  }
0xe0: {  	s31 =	simm.s32 $0x1000;
	s25 =	sand.u32 $0x30, s30;
	v28 =	vadd.f32 $2.401828320e-01, v30  }
0xe1: {  	s29 =	sand.u32 $0xFFFFE000, s31;
	v30 =	vmov s25;
	v27 =	vmul.f32 v27, v34  }
0xe2: {  	v36 =	vadd.s32 s29, v26;
	v30 =	vshll.u32 v30, $0x7;
	v28 =	vmul.f32 v28, v35  }
0xe3: {  	v36 =	vbroadcast v36, $0x0;
	v37 =	vadd.f32 $-3.463918270e-01, v27;
	v30 =	vor.u32 v2, v30  }
0xe4: {  	v56 =	vld [tilespmem:s22+$0x0];
	v27 =	vmax.f32 v31, $1.175494350e-38;
	v31 =	vsub.f32 $1.000000000e+00, v31;
	v28 =	vadd.f32 $-3.463918270e-01, v28  }
0xe5: {  	v38 =	vand.u32 $0x7FFFFF, v27;
	v30 =	vor.u32 v36, v30  }
0xe6: {  	v37 =	vmul.f32 v37, v34;
	v39 =	vmul.f32 v28, v35;
	v28 =	vmax.f32 v31, $1.175494350e-38  }
0xe7: {  	v48 =	vor.u32 $0x3F800000, v38;
	v40 =	vor.u32 $0x4, v30;
	v49 =	vand.u32 $0x7FFFFF, v28  }
0xe8: {  	v37 =	vadd.f32 $4.784177240e-01, v37;
	v31 =	vadd.f32 $-1.000000000e+00, v48;
	v30 =	vor.u32 $0x3F800000, v49  }
0xe9: {  	vm2 =	vgt.f32 v56, $5.000000000e-01;
	v32 =	vshrl.u32 v32, $0x17;
	v30 =	vadd.f32 $-1.000000000e+00, v30  }
0xea: {  	v39 =	vadd.f32 $4.784177240e-01, v39;
	v50 =	vmul.f32 v37, v34;
	v52 =	vmul.f32 $9.118586770e-03, v31  }
0xeb: {  	v32 =	vand.u32 $0xFF, v32;
	v33 =	vshrl.u32 v33, $0x17;
	v53 =	vmul.f32 $9.118586770e-03, v30  }
0xec: {  	v51 =	vmul.f32 v39, v35;
	v36 =	vadd.f32 $-7.211279270e-01, v50;
	v38 =	vsub.f32 $5.115626750e-02, v52  }
0xed: {  	s26 =	simm.s32 $0x30;
	v32 =	vadd.s32 $0xFFFFFF81, v32;
	v33 =	vand.u32 $0xFF, v33;
	v39 =	vsub.f32 $5.115626750e-02, v53  }
0xee: {  	s30 =	sand.u32 $0x30, s26;
	v37 =	vadd.f32 $-7.211279270e-01, v51;
	v36 =	vmul.f32 v36, v34;
	v38 =	vmul.f32 v38, v31  }
0xef: {  	v32 =	vcvt.s32.f32 v32;
	v54 =	vmov s30;
	v39 =	vmul.f32 v39, v30  }
0xf0: {  	v57 =	vld.idx.msk [tilespmem:v40+s4+$0x0], $0xffff;
	v37 =	vmul.f32 v37, v35;
	v36 =	vadd.f32 $1.442687990e+00, v36;
	v38 =	vadd.f32 $-1.358065160e-01, v38  }
0xf1: {  	s31 =	simm.s32 $0x1800;
	v33 =	vadd.s32 $0xFFFFFF81, v33;
	v58 =	vshll.u32 v54, $0x7;
	v39 =	vadd.f32 $-1.358065160e-01, v39  }
0xf2: {  	s25 =	sand.u32 $0xFFFFE000, s31;
	v37 =	vadd.f32 $1.442687990e+00, v37;
	v34 =	vmul.f32 v36, v34;
	v55 =	vmul.f32 v38, v31  }
0xf3: {  	v33 =	vcvt.s32.f32 v33;
	v59 =	vadd.s32 s25, v26;
	v39 =	vmul.f32 v39, v30  }
0xf4: {  	v35 =	vmul.f32 v37, v35;
	v32 =	vadd.f32 v32, v34;
	v37 =	vadd.f32 $2.401828320e-01, v55  }
0xf5: {  	v36 =	vbroadcast v59, $0x0;
	v34 =	vsub.f32 $1.000000000e+00, v57;
	v39 =	vadd.f32 $2.401828320e-01, v39  }
0xf6: {  	v33 =	vadd.f32 v33, v35;
	v35 =	vor.u32 v2, v58;
	v37 =	vmul.f32 v37, v31  }
0xf7: {  	v32 =	vmul.f32 $6.931471820e-01, v32;
	v36 =	vor.u32 v36, v35;
	v39 =	vmul.f32 v39, v30  }
0xf8: {  	v35 =	vmax.f32 v34, $1.175494350e-38;
	v33 =	vmul.f32 $6.931471820e-01, v33;
	v37 =	vadd.f32 $-3.463918270e-01, v37  }
0xf9: {  	v32 =	vmax.f32 v32, $-1.000000000e+02;
	v62 =	vand.u32 $0x7FFFFF, v35;
	v39 =	vadd.f32 $-3.463918270e-01, v39  }
0xfa: {  	v36 =	vor.u32 $0x4, v36;
	v33 =	vmax.f32 v33, $-1.000000000e+02;
	v37 =	vmul.f32 v37, v31  }
0xfb: {  	v60 =	vsub.f32 v32, v33;
	v32 =	vmax.f32 v57, $1.175494350e-38;
	v39 =	vmul.f32 v39, v30  }
0xfc: {  	v29 =	vadd.f32 v33, v29;
	v61 =	vand.u32 $0x7FFFFF, v32;
	v37 =	vadd.f32 $4.784177240e-01, v37  }
0xfd: {  	v38 =	vnsel vm2, $0x0, v60;
	v33 =	vor.u32 $0x3F800000, v61;
	v39 =	vadd.f32 $4.784177240e-01, v39  }
0xfe: {  	v63 =	vor.u32 $0x3F800000, v62;
	v29 =	vadd.f32 v38, v29;
	v34 =	vadd.f32 $-1.000000000e+00, v33  }
0xff: {  	s28 =	simm.s32 $0x4;
	s25 =	smov.u32 s22;
	v33 =	vadd.f32 $-1.000000000e+00, v63;
	v38 =	vmul.f32 v37, v31;
	v37 =	vmul.f32 v39, v30  }
.LBB2_7:
0x100: {  	p1 =	sne.s32 s28, $0xB;
	v39 =	vmul.f32 $9.118586770e-03, v34;
	v40 =	vshrl.u32 v27, $0x17;
	v41 =	vshrl.u32 v28, $0x17;
	v27 =	vmovc v32;
	v28 =	vmovc v35  }
0x101: {  	v32 =	vmul.f32 $9.118586770e-03, v33;
	v35 =	vadd.f32 $-7.211279270e-01, v38;
	v37 =	vadd.f32 $-7.211279270e-01, v37  }
0x102: {  	v38 =	vsub.f32 $5.115626750e-02, v39;
	v39 =	vand.u32 $0xFF, v40;
	v40 =	vand.u32 $0xFF, v41  }
0x103: {  	v32 =	vsub.f32 $5.115626750e-02, v32;
	v35 =	vmul.f32 v35, v31;
	v37 =	vmul.f32 v37, v30  }
0x104: {  	v39 =	vadd.s32 $0xFFFFFF81, v39;
	v40 =	vadd.s32 $0xFFFFFF81, v40;
	v38 =	vmul.f32 v38, v34  }
0x105: {  	v32 =	vmul.f32 v32, v33;
	v35 =	vadd.f32 $1.442687990e+00, v35;
	v37 =	vadd.f32 $1.442687990e+00, v37  }
0x106: {  	s26 =	sadd.s32 $0x10, s26;
	v39 =	vcvt.s32.f32 v39;
	v40 =	vcvt.s32.f32 v40;
	v38 =	vadd.f32 $-1.358065160e-01, v38  }
0x107: {  	s25 =	sadd.s32 $0x10, s25;
	s29 =	sand.u32 $0x30, s26;
	v32 =	vadd.f32 $-1.358065160e-01, v32;
	v35 =	vmul.f32 v35, v31;
	v37 =	vmul.f32 v37, v30;
	v31 =	vmovc v34;
	v30 =	vmovc v33  }
0x108: {  	v33 =	vmov s29;
	s29 =	sshll.u32 s28, $0xB;
	v34 =	vmul.f32 v38, v31;
	v38 =	vld [tilespmem:s25+$0x0]  }
0x109: {  	s29 =	sand.u32 $0xFFFFE000, s29;
	v36 =	vld.idx.msk [tilespmem:v36+s4+$0x0], $0xffff;
	v32 =	vmul.f32 v32, v30;
	v35 =	vadd.f32 v39, v35;
	v37 =	vadd.f32 v40, v37  }
0x10a: {  	v33 =	vshll.u32 v33, $0x7;
	v39 =	vadd.s32 s29, v26;
	v34 =	vadd.f32 $2.401828320e-01, v34  }
0x10b: {  	v32 =	vadd.f32 $2.401828320e-01, v32;
	v35 =	vmul.f32 $6.931471820e-01, v35;
	v37 =	vmul.f32 $6.931471820e-01, v37  }
0x10c: {  	v33 =	vor.u32 v2, v33;
	v39 =	vbroadcast v39, $0x0;
	v34 =	vmul.f32 v34, v31  }
0x10d: {  	v40 =	vmul.f32 v32, v30;
	v32 =	vmax.f32 v35, $-1.000000000e+02;
	v35 =	vmax.f32 v37, $-1.000000000e+02  }
0x10e: {  	vm2 =	vgt.f32 v38, $5.000000000e-01;
	v34 =	vadd.f32 $-3.463918270e-01, v34;
	v37 =	vsub.f32 v32, v35  }
0x10f: {  	v32 =	vmax.f32 v36, $1.175494350e-38;
	v29 =	vadd.f32 v35, v29;
	v38 =	vadd.f32 $-3.463918270e-01, v40  }
0x110: {  	v36 =	vsub.f32 $1.000000000e+00, v36;
	v35 =	vand.u32 $0x7FFFFF, v32;
	v37 =	vnsel vm2, $0x0, v37  }
.Ltmp2:
0x111: {  	v34 =	vmul.f32 v34, v31;
	v38 =	vmul.f32 v38, v30;
	v29 =	vadd.f32 v37, v29;
	(pc) =	sbr.rel @p1 .LBB2_7-.Ltmp2, $4  }
0x112: {  	v33 =	vor.u32 v39, v33;
	v37 =	vor.u32 $0x3F800000, v35;
	v35 =	vmax.f32 v36, $1.175494350e-38  }
0x113: {  	v39 =	vand.u32 $0x7FFFFF, v35;
	v40 =	vadd.f32 $4.784177240e-01, v34;
	v41 =	vadd.f32 $4.784177240e-01, v38  }
0x114: {  	v36 =	vor.u32 $0x4, v33;
	v34 =	vadd.f32 $-1.000000000e+00, v37;
	v33 =	vor.u32 $0x3F800000, v39  }
0x115: {  	s28 =	sadd.s32 $0x1, s28;
	v33 =	vadd.f32 $-1.000000000e+00, v33;
	v38 =	vmul.f32 v40, v31;
	v37 =	vmul.f32 v41, v30  }
0x116: {  	_ =	sdelay $0x3  }
0x117: {  	v36 =	vld.idx.msk [tilespmem:v36+s4+$0x0], $0xffff;
	_ =	sdelay $0x1  }
0x118: {  	v39 =	vmul.f32 $9.118586770e-03, v33  }
0x119: {  	v26 =	vmul.f32 $9.118586770e-03, v34;
	v27 =	vshrl.u32 v27, $0x17;
	v28 =	vshrl.u32 v28, $0x17  }
0x11a: {  	v32 =	vshrl.u32 v32, $0x17;
	v38 =	vadd.f32 $-7.211279270e-01, v38;
	v39 =	vsub.f32 $5.115626750e-02, v39  }
0x11b: {  	v35 =	vshrl.u32 v35, $0x17;
	v37 =	vadd.f32 $-7.211279270e-01, v37;
	v40 =	vsub.f32 $1.000000000e+00, v36  }
0x11c: {  	v27 =	vand.u32 $0xFF, v27;
	v28 =	vand.u32 $0xFF, v28;
	v39 =	vmul.f32 v39, v33  }
0x11d: {  	v26 =	vsub.f32 $5.115626750e-02, v26;
	v36 =	vmax.f32 v36, $1.175494350e-38;
	v40 =	vmax.f32 v40, $1.175494350e-38  }
0x11e: {  	v41 =	vand.u32 $0x7FFFFF, v36;
	v39 =	vadd.f32 $-1.358065160e-01, v39;
	v42 =	vand.u32 $0x7FFFFF, v40  }
0x11f: {  	v26 =	vmul.f32 v26, v34;
	v41 =	vor.u32 $0x3F800000, v41;
	v42 =	vor.u32 $0x3F800000, v42  }
0x120: {  	v41 =	vadd.f32 $-1.000000000e+00, v41;
	v39 =	vmul.f32 v39, v33;
	v42 =	vadd.f32 $-1.000000000e+00, v42  }
0x121: {  	v32 =	vand.u32 $0xFF, v32;
	v37 =	vmul.f32 v37, v30;
	v26 =	vadd.f32 $-1.358065160e-01, v26  }
0x122: {  	v43 =	vmul.f32 $9.118586770e-03, v41;
	v39 =	vadd.f32 $2.401828320e-01, v39;
	v44 =	vmul.f32 $9.118586770e-03, v42  }
0x123: {  	v38 =	vmul.f32 v38, v31;
	v37 =	vadd.f32 $1.442687990e+00, v37;
	v26 =	vmul.f32 v26, v34  }
0x124: {  	v53 =	vsub.f32 $5.115626750e-02, v43;
	v39 =	vmul.f32 v39, v33;
	v54 =	vsub.f32 $5.115626750e-02, v44  }
0x125: {  	v38 =	vadd.f32 $1.442687990e+00, v38;
	v30 =	vmul.f32 v37, v30;
	v26 =	vadd.f32 $2.401828320e-01, v26  }
0x126: {  	v37 =	vmul.f32 v53, v41;
	v52 =	vadd.f32 $-3.463918270e-01, v39;
	v39 =	vmul.f32 v54, v42  }
0x127: {  	v35 =	vand.u32 $0xFF, v35;
	v31 =	vmul.f32 v38, v31;
	v26 =	vmul.f32 v26, v34  }
0x128: {  	v37 =	vadd.f32 $-1.358065160e-01, v37;
	v38 =	vmul.f32 v52, v33;
	v39 =	vadd.f32 $-1.358065160e-01, v39  }
0x129: {  	v27 =	vadd.s32 $0xFFFFFF81, v27;
	v28 =	vadd.s32 $0xFFFFFF81, v28;
	v26 =	vadd.f32 $-3.463918270e-01, v26  }
0x12a: {  	v37 =	vmul.f32 v37, v41;
	v38 =	vadd.f32 $4.784177240e-01, v38;
	v39 =	vmul.f32 v39, v42  }
0x12b: {  	v32 =	vadd.s32 $0xFFFFFF81, v32;
	v28 =	vcvt.s32.f32 v28;
	v26 =	vmul.f32 v26, v34  }
0x12c: {  	v37 =	vadd.f32 $2.401828320e-01, v37;
	v38 =	vmul.f32 v38, v33;
	v39 =	vadd.f32 $2.401828320e-01, v39  }
0x12d: {  	s25 =	sadd.s32 $0x10, s25;
	v27 =	vcvt.s32.f32 v27;
	v28 =	vadd.f32 v28, v30;
	v26 =	vadd.f32 $4.784177240e-01, v26  }
0x12e: {  	v58 =	vld [tilespmem:s25+$0x0];
	v30 =	vmul.f32 v37, v41;
	v38 =	vadd.f32 $-7.211279270e-01, v38;
	v55 =	vmul.f32 v39, v42  }
0x12f: {  	v35 =	vadd.s32 $0xFFFFFF81, v35;
	v27 =	vadd.f32 v27, v31;
	v26 =	vmul.f32 v26, v34  }
0x130: {  	v30 =	vadd.f32 $-3.463918270e-01, v30;
	v31 =	vmul.f32 v38, v33;
	v56 =	vadd.f32 $-3.463918270e-01, v55  }
0x131: {  	v32 =	vcvt.s32.f32 v32;
	v35 =	vcvt.s32.f32 v35;
	v26 =	vadd.f32 $-7.211279270e-01, v26  }
0x132: {  	v30 =	vmul.f32 v30, v41;
	v31 =	vadd.f32 $1.442687990e+00, v31;
	v57 =	vmul.f32 v56, v42  }
0x133: {  	vm2 =	vgt.f32 v58, $5.000000000e-01;
	v60 =	vshrl.u32 v36, $0x17;
	v26 =	vmul.f32 v26, v34  }
0x134: {  	v30 =	vadd.f32 $4.784177240e-01, v30;
	v31 =	vmul.f32 v31, v33;
	v33 =	vadd.f32 $4.784177240e-01, v57  }
0x135: {  	v27 =	vmul.f32 $6.931471820e-01, v27;
	v28 =	vmul.f32 $6.931471820e-01, v28;
	v26 =	vadd.f32 $1.442687990e+00, v26  }
0x136: {  	v61 =	vshrl.u32 v40, $0x17;
	v30 =	vmul.f32 v30, v41;
	v33 =	vmul.f32 v33, v42  }
0x137: {  	v27 =	vmax.f32 v27, $-1.000000000e+02;
	v26 =	vmul.f32 v26, v34;
	v34 =	vand.u32 $0xFF, v61  }
0x138: {  	v34 =	vadd.s32 $0xFFFFFF81, v34;
	v30 =	vadd.f32 $-7.211279270e-01, v30;
	v59 =	vadd.f32 $-7.211279270e-01, v33  }
0x139: {  	v28 =	vmax.f32 v28, $-1.000000000e+02;
	v26 =	vadd.f32 v32, v26;
	v63 =	vcvt.s32.f32 v34  }
0x13a: {  	v27 =	vsub.f32 v27, v28;
	v30 =	vmul.f32 v30, v41;
	v32 =	vmul.f32 v59, v42  }
0x13b: {  	s25 =	sadd.s32 $0x10, s25;
	v31 =	vadd.f32 v35, v31;
	v26 =	vmul.f32 $6.931471820e-01, v26;
	v33 =	vand.u32 $0xFF, v60  }
0x13c: {  	v62 =	vld [tilespmem:s25+$0x0];
	v33 =	vadd.s32 $0xFFFFFF81, v33;
	v30 =	vadd.f32 $1.442687990e+00, v30;
	v32 =	vadd.f32 $1.442687990e+00, v32  }
0x13d: {  	v28 =	vadd.f32 v28, v29;
	v31 =	vmul.f32 $6.931471820e-01, v31;
	v29 =	vcvt.s32.f32 v33  }
0x13e: {  	v27 =	vnsel vm2, $0x0, v27;
	v30 =	vmul.f32 v30, v41;
	v32 =	vmul.f32 v32, v42  }
0x13f: {  	v27 =	vadd.f32 v27, v28;
	v26 =	vmax.f32 v26, $-1.000000000e+02  }
0x140: {  	s25 =	sadd.s32 $0x10, s25;
	v28 =	vmax.f32 v31, $-1.000000000e+02;
	v29 =	vadd.f32 v29, v30;
	v30 =	vadd.f32 v63, v32  }
0x141: {  	vm2 =	vgt.f32 v62, $5.000000000e-01;
	v31 =	vld [tilespmem:s25+$0x0];
	v26 =	vsub.f32 v26, v28  }
0x142: {  	s24 =	sadd.s32 $0x1, s24;
	v27 =	vadd.f32 v28, v27;
	v28 =	vmul.f32 $6.931471820e-01, v29;
	v29 =	vmul.f32 $6.931471820e-01, v30  }
0x143: {  	p1 =	sne.s32 s24, $0x14;
	v26 =	vnsel vm2, $0x0, v26  }
.Ltmp3:
0x144: {  	v26 =	vadd.f32 v26, v27;
	v27 =	vmax.f32 v28, $-1.000000000e+02;
	v28 =	vmax.f32 v29, $-1.000000000e+02;
	(pc) =	sbr.rel @p1 .LBB2_6-.Ltmp3, $4  }
0x145: {  	v27 =	vsub.f32 v27, v28  }
0x146: {  	vm2 =	vgt.f32 v31, $5.000000000e-01;
	v26 =	vadd.f32 v28, v26  }
0x147: {  	v27 =	vnsel vm2, $0x0, v27  }
0x148: {  	s22 =	sadd.s32 $0xC0, s22;
	v29 =	vadd.f32 v27, v26  }
0x149: {  	s21 =	sadd.s32 $0x1, s21  }
0x14a: {  	p1 =	sne.s32 s21, s13  }
.Ltmp4:
0x14b: {  	[tilespmem:$0x1AD00] =	vst v29;
	(pc) =	sbr.rel @p1 .LBB2_1-.Ltmp4, $4  }
0x14c: {  	[hbm4b:s12+s4] =	stream.linear.scatter [tilespmem:s20], [sflag:$0x5], $0x80, $0x38;
	[tilespmem:$0x1BC80] =	vst v63  }
0x14d: {  	_ =	swait.ge [sflag:s17], $0x80  }
0x14e: {  	[sflag:s17] =	ssyncset.done $0x0  }
0x14f: {  	[sflag:s17] =	ssyncadd.s32 $0xFFFFFF80  }
0x150: {  	_ =	sfence.sel $0x180000  }
0x151: {  	[bflag:$0x0] =	sbarrier.arrive $0xFFFF  }
0x152: {  	p0 =	sne.s32 s0, $0x0;
	_ =	strace $0x90000047  }
0x153: {  	s0 =	sadd.s32 @!p0 $0x100000, s2;
	[bflag:$0x2] =	sbarrier.arrive $0xFFFF  }
0x154: {  	[sflag:s0] =	ssyncadd.tile.s32 @!p0 $0x1;
	_ =	shalt  }
.Lfunc_end2:
_tile_overlayer_lowered:
.L_overlay_start_2:
0x155: {  	(tag) =	ssettag $0x2  }
0x156: {  	s0 =	rddreg [dreg:$0x0];
	s2 =	stileid.u32  }
0x157: {  	s1 =	rddreg [dreg:$0x1];
	p0 =	sne.s32 s2, $0x0  }
0x158: {  	s3 =	rddreg [dreg:$0x2];
	[bflag:$0x3] =	sbarrier.arrive $0xFFFF;
	s2 =	simm.s32 @!p0 $0x1C05  }
0x159: {  	[timem:s3], [sflag:s2] =	dma.local @!p0 [hbm:s0], s1  }
0x15a: {  	s0 =	simm.s32 @!p0 $0x5  }
0x15b: {  	_ =	swait.ge @!p0 [sflag:s0], s1  }
0x15c: {  	s1 =	ssub.s32 @!p0 $0x0, s1;
	[sflag:s0] =	ssyncset.done @!p0 $0x0  }
0x15d: {  	[sflag:s0] =	ssyncadd.s32 @!p0 s1  }
0x15e: {  	[bflag:$0x3] =	sbarrier.arrive $0xFFFF  }
0x15f: {  	_ =	shalt  }

</sc_bundles>
